<compile_context>
chip_gen: v7x
topology: tpu7x:2x2x1
jax: 0.10.2.dev20260603
libtpu: 0.0.44.dev20260713+nightly
codegen_flags: <defaults>
</compile_context>

<pallas_src>
import jax
import jax.numpy as jnp
from jax import lax
from jax.experimental import pallas as pl
from jax.experimental.pallas import tpu as pltpu
from jax.experimental.pallas import tpu_sc as plsc

B, SEQ, D = 4, 8192, 1024
NC, NS = 2, 16
NW = NC * NS
ROWS_PER_W = SEQ // NW
CHUNK = 4
NCHUNK = ROWS_PER_W // CHUNK
NBUF = 6
PREF = NBUF - 1
LANES = 16
VECS_PER_ROW = D // LANES


def _sc_body(in_hbm, tab_hbm, out_hbm, tab_v, io_v, in_sems, out_sems):
    wid = lax.axis_index("s") * NC + lax.axis_index("c")
    row_base = wid * ROWS_PER_W

    def in_cps(ci, sl):
        r0 = row_base + ci * CHUNK
        return [
            pltpu.make_async_copy(
                tab_hbm.at[pl.ds(r0, CHUNK)], tab_v.at[sl], in_sems.at[sl]),
            pltpu.make_async_copy(
                in_hbm.at[:, pl.ds(r0, CHUNK), :], io_v.at[sl], in_sems.at[sl]),
        ]

    def out_cps(ci, sl):
        r0 = row_base + ci * CHUNK
        return [
            pltpu.make_async_copy(
                io_v.at[sl], out_hbm.at[:, pl.ds(r0, CHUNK), :], out_sems.at[sl]),
        ]

    def issue(cps):
        for c in cps:
            c.start()

    def drain(cps):
        for c in cps:
            c.wait()

    def compute(sl):
        @plsc.parallel_loop(0, CHUNK * VECS_PER_ROW, unroll=8)
        def _vec_body(n):
            r = n // VECS_PER_ROW
            col = (n % VECS_PER_ROW) * LANES
            t = tab_v[sl, r, pl.ds(col, LANES)]
            for b in range(B):
                plsc.addupdate(io_v.at[sl, b, r, pl.ds(col, LANES)], t)

    for p in range(PREF):
        issue(in_cps(p, p))

    def chunk_step(ci, carry):
        sl = lax.rem(ci, NBUF)
        cp = ci + PREF
        psl = lax.rem(cp, NBUF)

        @pl.when(cp < NCHUNK)
        def _prefetch():
            @pl.when(cp >= NBUF)
            def _():
                drain(out_cps(cp - NBUF, psl))
            issue(in_cps(cp, psl))

        drain(in_cps(ci, sl))
        compute(sl)
        issue(out_cps(ci, sl))
        return carry

    lax.fori_loop(0, NCHUNK, chunk_step, 0)
    for k in range(NCHUNK - NBUF, NCHUNK):
        drain(out_cps(k, k % NBUF))


def kernel(inputs, pos_table):
    mesh = plsc.VectorSubcoreMesh(core_axis_name="c", subcore_axis_name="s")
    return pl.kernel(
        _sc_body,
        mesh=mesh,
        out_type=jax.ShapeDtypeStruct((B, SEQ, D), jnp.float32),
        scratch_types=[
            pltpu.VMEM((NBUF, CHUNK, D), jnp.float32),
            pltpu.VMEM((NBUF, B, CHUNK, D), jnp.float32),
            pltpu.SemaphoreType.DMA((NBUF,)),
            pltpu.SemaphoreType.DMA((NBUF,)),
        ],
    )(inputs, pos_table)

# --- scband reference (transcript-rebuilt; emitter-appended) ---
"""Pipeline reference for scband-positional-embedding-86303072846562 (READ-ONLY COPY).

The authoritative reference and input builder live on the scoring server;
editing this copy changes nothing except your own understanding.
"""

import jax, jax.numpy as jnp
import numpy as np

SEQ_LEN = 8192
D_MODEL = 1024
BATCH = 4

def setup_inputs(seed: int = 0) -> dict:
    key = jax.random.key(seed)
    k1, k2 = jax.random.split(key)
    inputs = jax.random.normal(k1, (BATCH, SEQ_LEN, D_MODEL), dtype=jnp.float32)
    # Keras Embedding default init: uniform(-0.05, 0.05)
    pos_table = jax.random.uniform(k2, (SEQ_LEN, D_MODEL), dtype=jnp.float32, minval=-0.05, maxval=0.05)
    return {"inputs": inputs, "pos_table": pos_table}

def reference(inputs, pos_table):
    seq_len = inputs.shape[1]
    positions = jnp.arange(0, seq_len)
    position_embeddings = jnp.take(pos_table, positions, axis=0)  # [S, d_model]
    return inputs + position_embeddings[None, :, :]

if __name__ == "__main__":
    import jax
    _d = setup_inputs()
    print(jax.jit(kernel)(*tuple(_d.values())))

</pallas_src>

<mosaic_0001>
#map = affine_map<(d0, d1) -> (0, 0, 0)>
#map1 = affine_map<(d0, d1) -> (0, 0)>
module attributes {stable_mosaic.version = 14 : i64} {
  func.func @_sc_body(%arg0: i32, %arg1: i32, %arg2: memref<4x8192x1024xf32, #tpu.memory_space<hbm>>, %arg3: memref<8192x1024xf32, #tpu.memory_space<hbm>>, %arg4: memref<4x8192x1024xf32, #tpu.memory_space<hbm>>, %arg5: memref<6x4x1024xf32, #tpu.memory_space<vmem>>, %arg6: memref<6x4x4x1024xf32, #tpu.memory_space<vmem>>, %arg7: memref<6x!tpu.dma_semaphore, #tpu.memory_space<semaphore_mem>>, %arg8: memref<6x!tpu.dma_semaphore, #tpu.memory_space<semaphore_mem>>) attributes {dimension_semantics = [#tpu.dimension_semantics<core_parallel>, #tpu.dimension_semantics<subcore_parallel>], iteration_bounds = array<i64: 2, 16>, scalar_prefetch = 0 : i64, scratch_operands = 4 : i64, tpu.core_type = #tpu.core_type<sc_vector_subcore>, window_params = [{transform_indices = #map}, {transform_indices = #map1}, {transform_indices = #map}]} {
    %mul3A = arith.constant 2 : i32
    %mul3A_0 = arith.muli %arg1, %mul3A : i32
    %add3A = arith.addi %mul3A_0, %arg0 : i32
    %mul3A_1 = arith.constant 256 : i32
    %mul3A_2 = arith.muli %add3A, %mul3A_1 : i32
    %add3A_3 = arith.constant 0 : i32
    %add3A_4 = arith.addi %mul3A_2, %add3A_3 : i32
    %dma_start3A = arith.constant 0 : i32
    %dma_start3A_5 = arith.constant 0 : i32
    %dma_start3A_6 = arith.constant 0 : i32
    %dma_start3A_7 = arith.constant 0 : i32
    %dma_start3A_8 = tpu.memref_slice %arg5[%dma_start3A, %dma_start3A_6, %dma_start3A_7] : memref<6x4x1024xf32, #tpu.memory_space<vmem>> -> memref<1x4x1024xf32, #tpu.memory_space<vmem>>
    %dma_start3A_9 = tpu.memref_squeeze %dma_start3A_8 : memref<1x4x1024xf32, #tpu.memory_space<vmem>> -> memref<4x1024xf32, #tpu.memory_space<vmem>>
    %dma_start3A_10 = arith.constant 0 : i32
    %dma_start3A_11 = tpu.memref_slice %arg3[%add3A_4, %dma_start3A_10] : memref<8192x1024xf32, #tpu.memory_space<hbm>> -> memref<4x1024xf32, #tpu.memory_space<hbm>>
    %dma_start3A_12 = tpu.memref_slice %arg7[%dma_start3A_5] : memref<6x!tpu.dma_semaphore, #tpu.memory_space<semaphore_mem>> -> memref<1x!tpu.dma_semaphore, #tpu.memory_space<semaphore_mem>>
    %dma_start3A_13 = tpu.memref_squeeze %dma_start3A_12 : memref<1x!tpu.dma_semaphore, #tpu.memory_space<semaphore_mem>> -> memref<!tpu.dma_semaphore, #tpu.memory_space<semaphore_mem>>
    %dma_start3A_14 = arith.constant 0 : i32
    %dma_start3A_15 = arith.constant 0 : i32
    %dma_start3A_16 = tpu.memref_slice %arg5[%dma_start3A, %dma_start3A_14, %dma_start3A_15] : memref<6x4x1024xf32, #tpu.memory_space<vmem>> -> memref<1x4x1024xf32, #tpu.memory_space<vmem>>
    %dma_start3A_17 = tpu.memref_squeeze %dma_start3A_16 : memref<1x4x1024xf32, #tpu.memory_space<vmem>> -> memref<4x1024xf32, #tpu.memory_space<vmem>>
    %dma_start3A_18 = arith.constant 0 : i32
    %dma_start3A_19 = tpu.memref_slice %arg3[%add3A_4, %dma_start3A_18] : memref<8192x1024xf32, #tpu.memory_space<hbm>> -> memref<4x1024xf32, #tpu.memory_space<hbm>>
    tpu.enqueue_dma source(%dma_start3A_19 : memref<4x1024xf32, #tpu.memory_space<hbm>>) target(%dma_start3A_17 : memref<4x1024xf32, #tpu.memory_space<vmem>>) target_semaphore(%dma_start3A_13 : memref<!tpu.dma_semaphore, #tpu.memory_space<semaphore_mem>>)
    %dma_start3A_20 = arith.constant 0 : i32
    %dma_start3A_21 = arith.constant 0 : i32
    %dma_start3A_22 = arith.constant 0 : i32
    %dma_start3A_23 = arith.constant 0 : i32
    %dma_start3A_24 = arith.constant 0 : i32
    %dma_start3A_25 = tpu.memref_slice %arg6[%dma_start3A_20, %dma_start3A_22, %dma_start3A_23, %dma_start3A_24] : memref<6x4x4x1024xf32, #tpu.memory_space<vmem>> -> memref<1x4x4x1024xf32, #tpu.memory_space<vmem>>
    %dma_start3A_26 = tpu.memref_squeeze %dma_start3A_25 : memref<1x4x4x1024xf32, #tpu.memory_space<vmem>> -> memref<4x4x1024xf32, #tpu.memory_space<vmem>>
    %dma_start3A_27 = arith.constant 0 : i32
    %dma_start3A_28 = arith.constant 0 : i32
    %dma_start3A_29 = tpu.memref_slice %arg2[%dma_start3A_27, %add3A_4, %dma_start3A_28] : memref<4x8192x1024xf32, #tpu.memory_space<hbm>> -> memref<4x4x1024xf32, #tpu.memory_space<hbm>>
    %dma_start3A_30 = tpu.memref_slice %arg7[%dma_start3A_21] : memref<6x!tpu.dma_semaphore, #tpu.memory_space<semaphore_mem>> -> memref<1x!tpu.dma_semaphore, #tpu.memory_space<semaphore_mem>>
    %dma_start3A_31 = tpu.memref_squeeze %dma_start3A_30 : memref<1x!tpu.dma_semaphore, #tpu.memory_space<semaphore_mem>> -> memref<!tpu.dma_semaphore, #tpu.memory_space<semaphore_mem>>
    %dma_start3A_32 = arith.constant 0 : i32
    %dma_start3A_33 = arith.constant 0 : i32
    %dma_start3A_34 = arith.constant 0 : i32
    %dma_start3A_35 = tpu.memref_slice %arg6[%dma_start3A_20, %dma_start3A_32, %dma_start3A_33, %dma_start3A_34] : memref<6x4x4x1024xf32, #tpu.memory_space<vmem>> -> memref<1x4x4x1024xf32, #tpu.memory_space<vmem>>
    %dma_start3A_36 = tpu.memref_squeeze %dma_start3A_35 : memref<1x4x4x1024xf32, #tpu.memory_space<vmem>> -> memref<4x4x1024xf32, #tpu.memory_space<vmem>>
    %dma_start3A_37 = arith.constant 0 : i32
    %dma_start3A_38 = arith.constant 0 : i32
    %dma_start3A_39 = tpu.memref_slice %arg2[%dma_start3A_37, %add3A_4, %dma_start3A_38] : memref<4x8192x1024xf32, #tpu.memory_space<hbm>> -> memref<4x4x1024xf32, #tpu.memory_space<hbm>>
    tpu.enqueue_dma source(%dma_start3A_39 : memref<4x4x1024xf32, #tpu.memory_space<hbm>>) target(%dma_start3A_36 : memref<4x4x1024xf32, #tpu.memory_space<vmem>>) target_semaphore(%dma_start3A_31 : memref<!tpu.dma_semaphore, #tpu.memory_space<semaphore_mem>>)
    %add3A_40 = arith.constant 4 : i32
    %add3A_41 = arith.addi %mul3A_2, %add3A_40 : i32
    %dma_start3A_42 = arith.constant 1 : i32
    %dma_start3A_43 = arith.constant 1 : i32
    %dma_start3A_44 = arith.constant 0 : i32
    %dma_start3A_45 = arith.constant 0 : i32
    %dma_start3A_46 = tpu.memref_slice %arg5[%dma_start3A_42, %dma_start3A_44, %dma_start3A_45] : memref<6x4x1024xf32, #tpu.memory_space<vmem>> -> memref<1x4x1024xf32, #tpu.memory_space<vmem>>
    %dma_start3A_47 = tpu.memref_squeeze %dma_start3A_46 : memref<1x4x1024xf32, #tpu.memory_space<vmem>> -> memref<4x1024xf32, #tpu.memory_space<vmem>>
    %dma_start3A_48 = arith.constant 0 : i32
    %dma_start3A_49 = tpu.memref_slice %arg3[%add3A_41, %dma_start3A_48] : memref<8192x1024xf32, #tpu.memory_space<hbm>> -> memref<4x1024xf32, #tpu.memory_space<hbm>>
    %dma_start3A_50 = tpu.memref_slice %arg7[%dma_start3A_43] : memref<6x!tpu.dma_semaphore, #tpu.memory_space<semaphore_mem>> -> memref<1x!tpu.dma_semaphore, #tpu.memory_space<semaphore_mem>>
    %dma_start3A_51 = tpu.memref_squeeze %dma_start3A_50 : memref<1x!tpu.dma_semaphore, #tpu.memory_space<semaphore_mem>> -> memref<!tpu.dma_semaphore, #tpu.memory_space<semaphore_mem>>
    %dma_start3A_52 = arith.constant 0 : i32
    %dma_start3A_53 = arith.constant 0 : i32
    %dma_start3A_54 = tpu.memref_slice %arg5[%dma_start3A_42, %dma_start3A_52, %dma_start3A_53] : memref<6x4x1024xf32, #tpu.memory_space<vmem>> -> memref<1x4x1024xf32, #tpu.memory_space<vmem>>
    %dma_start3A_55 = tpu.memref_squeeze %dma_start3A_54 : memref<1x4x1024xf32, #tpu.memory_space<vmem>> -> memref<4x1024xf32, #tpu.memory_space<vmem>>
    %dma_start3A_56 = arith.constant 0 : i32
    %dma_start3A_57 = tpu.memref_slice %arg3[%add3A_41, %dma_start3A_56] : memref<8192x1024xf32, #tpu.memory_space<hbm>> -> memref<4x1024xf32, #tpu.memory_space<hbm>>
    tpu.enqueue_dma source(%dma_start3A_57 : memref<4x1024xf32, #tpu.memory_space<hbm>>) target(%dma_start3A_55 : memref<4x1024xf32, #tpu.memory_space<vmem>>) target_semaphore(%dma_start3A_51 : memref<!tpu.dma_semaphore, #tpu.memory_space<semaphore_mem>>)
    %dma_start3A_58 = arith.constant 1 : i32
    %dma_start3A_59 = arith.constant 1 : i32
    %dma_start3A_60 = arith.constant 0 : i32
    %dma_start3A_61 = arith.constant 0 : i32
    %dma_start3A_62 = arith.constant 0 : i32
    %dma_start3A_63 = tpu.memref_slice %arg6[%dma_start3A_58, %dma_start3A_60, %dma_start3A_61, %dma_start3A_62] : memref<6x4x4x1024xf32, #tpu.memory_space<vmem>> -> memref<1x4x4x1024xf32, #tpu.memory_space<vmem>>
    %dma_start3A_64 = tpu.memref_squeeze %dma_start3A_63 : memref<1x4x4x1024xf32, #tpu.memory_space<vmem>> -> memref<4x4x1024xf32, #tpu.memory_space<vmem>>
    %dma_start3A_65 = arith.constant 0 : i32
    %dma_start3A_66 = arith.constant 0 : i32
    %dma_start3A_67 = tpu.memref_slice %arg2[%dma_start3A_65, %add3A_41, %dma_start3A_66] : memref<4x8192x1024xf32, #tpu.memory_space<hbm>> -> memref<4x4x1024xf32, #tpu.memory_space<hbm>>
    %dma_start3A_68 = tpu.memref_slice %arg7[%dma_start3A_59] : memref<6x!tpu.dma_semaphore, #tpu.memory_space<semaphore_mem>> -> memref<1x!tpu.dma_semaphore, #tpu.memory_space<semaphore_mem>>
    %dma_start3A_69 = tpu.memref_squeeze %dma_start3A_68 : memref<1x!tpu.dma_semaphore, #tpu.memory_space<semaphore_mem>> -> memref<!tpu.dma_semaphore, #tpu.memory_space<semaphore_mem>>
    %dma_start3A_70 = arith.constant 0 : i32
    %dma_start3A_71 = arith.constant 0 : i32
    %dma_start3A_72 = arith.constant 0 : i32
    %dma_start3A_73 = tpu.memref_slice %arg6[%dma_start3A_58, %dma_start3A_70, %dma_start3A_71, %dma_start3A_72] : memref<6x4x4x1024xf32, #tpu.memory_space<vmem>> -> memref<1x4x4x1024xf32, #tpu.memory_space<vmem>>
    %dma_start3A_74 = tpu.memref_squeeze %dma_start3A_73 : memref<1x4x4x1024xf32, #tpu.memory_space<vmem>> -> memref<4x4x1024xf32, #tpu.memory_space<vmem>>
    %dma_start3A_75 = arith.constant 0 : i32
    %dma_start3A_76 = arith.constant 0 : i32
    %dma_start3A_77 = tpu.memref_slice %arg2[%dma_start3A_75, %add3A_41, %dma_start3A_76] : memref<4x8192x1024xf32, #tpu.memory_space<hbm>> -> memref<4x4x1024xf32, #tpu.memory_space<hbm>>
    tpu.enqueue_dma source(%dma_start3A_77 : memref<4x4x1024xf32, #tpu.memory_space<hbm>>) target(%dma_start3A_74 : memref<4x4x1024xf32, #tpu.memory_space<vmem>>) target_semaphore(%dma_start3A_69 : memref<!tpu.dma_semaphore, #tpu.memory_space<semaphore_mem>>)
    %add3A_78 = arith.constant 8 : i32
    %add3A_79 = arith.addi %mul3A_2, %add3A_78 : i32
    %dma_start3A_80 = arith.constant 2 : i32
    %dma_start3A_81 = arith.constant 2 : i32
    %dma_start3A_82 = arith.constant 0 : i32
    %dma_start3A_83 = arith.constant 0 : i32
    %dma_start3A_84 = tpu.memref_slice %arg5[%dma_start3A_80, %dma_start3A_82, %dma_start3A_83] : memref<6x4x1024xf32, #tpu.memory_space<vmem>> -> memref<1x4x1024xf32, #tpu.memory_space<vmem>>
    %dma_start3A_85 = tpu.memref_squeeze %dma_start3A_84 : memref<1x4x1024xf32, #tpu.memory_space<vmem>> -> memref<4x1024xf32, #tpu.memory_space<vmem>>
    %dma_start3A_86 = arith.constant 0 : i32
    %dma_start3A_87 = tpu.memref_slice %arg3[%add3A_79, %dma_start3A_86] : memref<8192x1024xf32, #tpu.memory_space<hbm>> -> memref<4x1024xf32, #tpu.memory_space<hbm>>
    %dma_start3A_88 = tpu.memref_slice %arg7[%dma_start3A_81] : memref<6x!tpu.dma_semaphore, #tpu.memory_space<semaphore_mem>> -> memref<1x!tpu.dma_semaphore, #tpu.memory_space<semaphore_mem>>
    %dma_start3A_89 = tpu.memref_squeeze %dma_start3A_88 : memref<1x!tpu.dma_semaphore, #tpu.memory_space<semaphore_mem>> -> memref<!tpu.dma_semaphore, #tpu.memory_space<semaphore_mem>>
    %dma_start3A_90 = arith.constant 0 : i32
    %dma_start3A_91 = arith.constant 0 : i32
    %dma_start3A_92 = tpu.memref_slice %arg5[%dma_start3A_80, %dma_start3A_90, %dma_start3A_91] : memref<6x4x1024xf32, #tpu.memory_space<vmem>> -> memref<1x4x1024xf32, #tpu.memory_space<vmem>>
    %dma_start3A_93 = tpu.memref_squeeze %dma_start3A_92 : memref<1x4x1024xf32, #tpu.memory_space<vmem>> -> memref<4x1024xf32, #tpu.memory_space<vmem>>
    %dma_start3A_94 = arith.constant 0 : i32
    %dma_start3A_95 = tpu.memref_slice %arg3[%add3A_79, %dma_start3A_94] : memref<8192x1024xf32, #tpu.memory_space<hbm>> -> memref<4x1024xf32, #tpu.memory_space<hbm>>
    tpu.enqueue_dma source(%dma_start3A_95 : memref<4x1024xf32, #tpu.memory_space<hbm>>) target(%dma_start3A_93 : memref<4x1024xf32, #tpu.memory_space<vmem>>) target_semaphore(%dma_start3A_89 : memref<!tpu.dma_semaphore, #tpu.memory_space<semaphore_mem>>)
    %dma_start3A_96 = arith.constant 2 : i32
    %dma_start3A_97 = arith.constant 2 : i32
    %dma_start3A_98 = arith.constant 0 : i32
    %dma_start3A_99 = arith.constant 0 : i32
    %dma_start3A_100 = arith.constant 0 : i32
    %dma_start3A_101 = tpu.memref_slice %arg6[%dma_start3A_96, %dma_start3A_98, %dma_start3A_99, %dma_start3A_100] : memref<6x4x4x1024xf32, #tpu.memory_space<vmem>> -> memref<1x4x4x1024xf32, #tpu.memory_space<vmem>>
    %dma_start3A_102 = tpu.memref_squeeze %dma_start3A_101 : memref<1x4x4x1024xf32, #tpu.memory_space<vmem>> -> memref<4x4x1024xf32, #tpu.memory_space<vmem>>
    %dma_start3A_103 = arith.constant 0 : i32
    %dma_start3A_104 = arith.constant 0 : i32
    %dma_start3A_105 = tpu.memref_slice %arg2[%dma_start3A_103, %add3A_79, %dma_start3A_104] : memref<4x8192x1024xf32, #tpu.memory_space<hbm>> -> memref<4x4x1024xf32, #tpu.memory_space<hbm>>
    %dma_start3A_106 = tpu.memref_slice %arg7[%dma_start3A_97] : memref<6x!tpu.dma_semaphore, #tpu.memory_space<semaphore_mem>> -> memref<1x!tpu.dma_semaphore, #tpu.memory_space<semaphore_mem>>
    %dma_start3A_107 = tpu.memref_squeeze %dma_start3A_106 : memref<1x!tpu.dma_semaphore, #tpu.memory_space<semaphore_mem>> -> memref<!tpu.dma_semaphore, #tpu.memory_space<semaphore_mem>>
    %dma_start3A_108 = arith.constant 0 : i32
    %dma_start3A_109 = arith.constant 0 : i32
    %dma_start3A_110 = arith.constant 0 : i32
    %dma_start3A_111 = tpu.memref_slice %arg6[%dma_start3A_96, %dma_start3A_108, %dma_start3A_109, %dma_start3A_110] : memref<6x4x4x1024xf32, #tpu.memory_space<vmem>> -> memref<1x4x4x1024xf32, #tpu.memory_space<vmem>>
    %dma_start3A_112 = tpu.memref_squeeze %dma_start3A_111 : memref<1x4x4x1024xf32, #tpu.memory_space<vmem>> -> memref<4x4x1024xf32, #tpu.memory_space<vmem>>
    %dma_start3A_113 = arith.constant 0 : i32
    %dma_start3A_114 = arith.constant 0 : i32
    %dma_start3A_115 = tpu.memref_slice %arg2[%dma_start3A_113, %add3A_79, %dma_start3A_114] : memref<4x8192x1024xf32, #tpu.memory_space<hbm>> -> memref<4x4x1024xf32, #tpu.memory_space<hbm>>
    tpu.enqueue_dma source(%dma_start3A_115 : memref<4x4x1024xf32, #tpu.memory_space<hbm>>) target(%dma_start3A_112 : memref<4x4x1024xf32, #tpu.memory_space<vmem>>) target_semaphore(%dma_start3A_107 : memref<!tpu.dma_semaphore, #tpu.memory_space<semaphore_mem>>)
    %add3A_116 = arith.constant 12 : i32
    %add3A_117 = arith.addi %mul3A_2, %add3A_116 : i32
    %dma_start3A_118 = arith.constant 3 : i32
    %dma_start3A_119 = arith.constant 3 : i32
    %dma_start3A_120 = arith.constant 0 : i32
    %dma_start3A_121 = arith.constant 0 : i32
    %dma_start3A_122 = tpu.memref_slice %arg5[%dma_start3A_118, %dma_start3A_120, %dma_start3A_121] : memref<6x4x1024xf32, #tpu.memory_space<vmem>> -> memref<1x4x1024xf32, #tpu.memory_space<vmem>>
    %dma_start3A_123 = tpu.memref_squeeze %dma_start3A_122 : memref<1x4x1024xf32, #tpu.memory_space<vmem>> -> memref<4x1024xf32, #tpu.memory_space<vmem>>
    %dma_start3A_124 = arith.constant 0 : i32
    %dma_start3A_125 = tpu.memref_slice %arg3[%add3A_117, %dma_start3A_124] : memref<8192x1024xf32, #tpu.memory_space<hbm>> -> memref<4x1024xf32, #tpu.memory_space<hbm>>
    %dma_start3A_126 = tpu.memref_slice %arg7[%dma_start3A_119] : memref<6x!tpu.dma_semaphore, #tpu.memory_space<semaphore_mem>> -> memref<1x!tpu.dma_semaphore, #tpu.memory_space<semaphore_mem>>
    %dma_start3A_127 = tpu.memref_squeeze %dma_start3A_126 : memref<1x!tpu.dma_semaphore, #tpu.memory_space<semaphore_mem>> -> memref<!tpu.dma_semaphore, #tpu.memory_space<semaphore_mem>>
    %dma_start3A_128 = arith.constant 0 : i32
    %dma_start3A_129 = arith.constant 0 : i32
    %dma_start3A_130 = tpu.memref_slice %arg5[%dma_start3A_118, %dma_start3A_128, %dma_start3A_129] : memref<6x4x1024xf32, #tpu.memory_space<vmem>> -> memref<1x4x1024xf32, #tpu.memory_space<vmem>>
    %dma_start3A_131 = tpu.memref_squeeze %dma_start3A_130 : memref<1x4x1024xf32, #tpu.memory_space<vmem>> -> memref<4x1024xf32, #tpu.memory_space<vmem>>
    %dma_start3A_132 = arith.constant 0 : i32
    %dma_start3A_133 = tpu.memref_slice %arg3[%add3A_117, %dma_start3A_132] : memref<8192x1024xf32, #tpu.memory_space<hbm>> -> memref<4x1024xf32, #tpu.memory_space<hbm>>
    tpu.enqueue_dma source(%dma_start3A_133 : memref<4x1024xf32, #tpu.memory_space<hbm>>) target(%dma_start3A_131 : memref<4x1024xf32, #tpu.memory_space<vmem>>) target_semaphore(%dma_start3A_127 : memref<!tpu.dma_semaphore, #tpu.memory_space<semaphore_mem>>)
    %dma_start3A_134 = arith.constant 3 : i32
    %dma_start3A_135 = arith.constant 3 : i32
    %dma_start3A_136 = arith.constant 0 : i32
    %dma_start3A_137 = arith.constant 0 : i32
    %dma_start3A_138 = arith.constant 0 : i32
    %dma_start3A_139 = tpu.memref_slice %arg6[%dma_start3A_134, %dma_start3A_136, %dma_start3A_137, %dma_start3A_138] : memref<6x4x4x1024xf32, #tpu.memory_space<vmem>> -> memref<1x4x4x1024xf32, #tpu.memory_space<vmem>>
    %dma_start3A_140 = tpu.memref_squeeze %dma_start3A_139 : memref<1x4x4x1024xf32, #tpu.memory_space<vmem>> -> memref<4x4x1024xf32, #tpu.memory_space<vmem>>
    %dma_start3A_141 = arith.constant 0 : i32
    %dma_start3A_142 = arith.constant 0 : i32
    %dma_start3A_143 = tpu.memref_slice %arg2[%dma_start3A_141, %add3A_117, %dma_start3A_142] : memref<4x8192x1024xf32, #tpu.memory_space<hbm>> -> memref<4x4x1024xf32, #tpu.memory_space<hbm>>
    %dma_start3A_144 = tpu.memref_slice %arg7[%dma_start3A_135] : memref<6x!tpu.dma_semaphore, #tpu.memory_space<semaphore_mem>> -> memref<1x!tpu.dma_semaphore, #tpu.memory_space<semaphore_mem>>
    %dma_start3A_145 = tpu.memref_squeeze %dma_start3A_144 : memref<1x!tpu.dma_semaphore, #tpu.memory_space<semaphore_mem>> -> memref<!tpu.dma_semaphore, #tpu.memory_space<semaphore_mem>>
    %dma_start3A_146 = arith.constant 0 : i32
    %dma_start3A_147 = arith.constant 0 : i32
    %dma_start3A_148 = arith.constant 0 : i32
    %dma_start3A_149 = tpu.memref_slice %arg6[%dma_start3A_134, %dma_start3A_146, %dma_start3A_147, %dma_start3A_148] : memref<6x4x4x1024xf32, #tpu.memory_space<vmem>> -> memref<1x4x4x1024xf32, #tpu.memory_space<vmem>>
    %dma_start3A_150 = tpu.memref_squeeze %dma_start3A_149 : memref<1x4x4x1024xf32, #tpu.memory_space<vmem>> -> memref<4x4x1024xf32, #tpu.memory_space<vmem>>
    %dma_start3A_151 = arith.constant 0 : i32
    %dma_start3A_152 = arith.constant 0 : i32
    %dma_start3A_153 = tpu.memref_slice %arg2[%dma_start3A_151, %add3A_117, %dma_start3A_152] : memref<4x8192x1024xf32, #tpu.memory_space<hbm>> -> memref<4x4x1024xf32, #tpu.memory_space<hbm>>
    tpu.enqueue_dma source(%dma_start3A_153 : memref<4x4x1024xf32, #tpu.memory_space<hbm>>) target(%dma_start3A_150 : memref<4x4x1024xf32, #tpu.memory_space<vmem>>) target_semaphore(%dma_start3A_145 : memref<!tpu.dma_semaphore, #tpu.memory_space<semaphore_mem>>)
    %add3A_154 = arith.constant 16 : i32
    %add3A_155 = arith.addi %mul3A_2, %add3A_154 : i32
    %dma_start3A_156 = arith.constant 4 : i32
    %dma_start3A_157 = arith.constant 4 : i32
    %dma_start3A_158 = arith.constant 0 : i32
    %dma_start3A_159 = arith.constant 0 : i32
    %dma_start3A_160 = tpu.memref_slice %arg5[%dma_start3A_156, %dma_start3A_158, %dma_start3A_159] : memref<6x4x1024xf32, #tpu.memory_space<vmem>> -> memref<1x4x1024xf32, #tpu.memory_space<vmem>>
    %dma_start3A_161 = tpu.memref_squeeze %dma_start3A_160 : memref<1x4x1024xf32, #tpu.memory_space<vmem>> -> memref<4x1024xf32, #tpu.memory_space<vmem>>
    %dma_start3A_162 = arith.constant 0 : i32
    %dma_start3A_163 = tpu.memref_slice %arg3[%add3A_155, %dma_start3A_162] : memref<8192x1024xf32, #tpu.memory_space<hbm>> -> memref<4x1024xf32, #tpu.memory_space<hbm>>
    %dma_start3A_164 = tpu.memref_slice %arg7[%dma_start3A_157] : memref<6x!tpu.dma_semaphore, #tpu.memory_space<semaphore_mem>> -> memref<1x!tpu.dma_semaphore, #tpu.memory_space<semaphore_mem>>
    %dma_start3A_165 = tpu.memref_squeeze %dma_start3A_164 : memref<1x!tpu.dma_semaphore, #tpu.memory_space<semaphore_mem>> -> memref<!tpu.dma_semaphore, #tpu.memory_space<semaphore_mem>>
    %dma_start3A_166 = arith.constant 0 : i32
    %dma_start3A_167 = arith.constant 0 : i32
    %dma_start3A_168 = tpu.memref_slice %arg5[%dma_start3A_156, %dma_start3A_166, %dma_start3A_167] : memref<6x4x1024xf32, #tpu.memory_space<vmem>> -> memref<1x4x1024xf32, #tpu.memory_space<vmem>>
    %dma_start3A_169 = tpu.memref_squeeze %dma_start3A_168 : memref<1x4x1024xf32, #tpu.memory_space<vmem>> -> memref<4x1024xf32, #tpu.memory_space<vmem>>
    %dma_start3A_170 = arith.constant 0 : i32
    %dma_start3A_171 = tpu.memref_slice %arg3[%add3A_155, %dma_start3A_170] : memref<8192x1024xf32, #tpu.memory_space<hbm>> -> memref<4x1024xf32, #tpu.memory_space<hbm>>
    tpu.enqueue_dma source(%dma_start3A_171 : memref<4x1024xf32, #tpu.memory_space<hbm>>) target(%dma_start3A_169 : memref<4x1024xf32, #tpu.memory_space<vmem>>) target_semaphore(%dma_start3A_165 : memref<!tpu.dma_semaphore, #tpu.memory_space<semaphore_mem>>)
    %dma_start3A_172 = arith.constant 4 : i32
    %dma_start3A_173 = arith.constant 4 : i32
    %dma_start3A_174 = arith.constant 0 : i32
    %dma_start3A_175 = arith.constant 0 : i32
    %dma_start3A_176 = arith.constant 0 : i32
    %dma_start3A_177 = tpu.memref_slice %arg6[%dma_start3A_172, %dma_start3A_174, %dma_start3A_175, %dma_start3A_176] : memref<6x4x4x1024xf32, #tpu.memory_space<vmem>> -> memref<1x4x4x1024xf32, #tpu.memory_space<vmem>>
    %dma_start3A_178 = tpu.memref_squeeze %dma_start3A_177 : memref<1x4x4x1024xf32, #tpu.memory_space<vmem>> -> memref<4x4x1024xf32, #tpu.memory_space<vmem>>
    %dma_start3A_179 = arith.constant 0 : i32
    %dma_start3A_180 = arith.constant 0 : i32
    %dma_start3A_181 = tpu.memref_slice %arg2[%dma_start3A_179, %add3A_155, %dma_start3A_180] : memref<4x8192x1024xf32, #tpu.memory_space<hbm>> -> memref<4x4x1024xf32, #tpu.memory_space<hbm>>
    %dma_start3A_182 = tpu.memref_slice %arg7[%dma_start3A_173] : memref<6x!tpu.dma_semaphore, #tpu.memory_space<semaphore_mem>> -> memref<1x!tpu.dma_semaphore, #tpu.memory_space<semaphore_mem>>
    %dma_start3A_183 = tpu.memref_squeeze %dma_start3A_182 : memref<1x!tpu.dma_semaphore, #tpu.memory_space<semaphore_mem>> -> memref<!tpu.dma_semaphore, #tpu.memory_space<semaphore_mem>>
    %dma_start3A_184 = arith.constant 0 : i32
    %dma_start3A_185 = arith.constant 0 : i32
    %dma_start3A_186 = arith.constant 0 : i32
    %dma_start3A_187 = tpu.memref_slice %arg6[%dma_start3A_172, %dma_start3A_184, %dma_start3A_185, %dma_start3A_186] : memref<6x4x4x1024xf32, #tpu.memory_space<vmem>> -> memref<1x4x4x1024xf32, #tpu.memory_space<vmem>>
    %dma_start3A_188 = tpu.memref_squeeze %dma_start3A_187 : memref<1x4x4x1024xf32, #tpu.memory_space<vmem>> -> memref<4x4x1024xf32, #tpu.memory_space<vmem>>
    %dma_start3A_189 = arith.constant 0 : i32
    %dma_start3A_190 = arith.constant 0 : i32
    %dma_start3A_191 = tpu.memref_slice %arg2[%dma_start3A_189, %add3A_155, %dma_start3A_190] : memref<4x8192x1024xf32, #tpu.memory_space<hbm>> -> memref<4x4x1024xf32, #tpu.memory_space<hbm>>
    tpu.enqueue_dma source(%dma_start3A_191 : memref<4x4x1024xf32, #tpu.memory_space<hbm>>) target(%dma_start3A_188 : memref<4x4x1024xf32, #tpu.memory_space<vmem>>) target_semaphore(%dma_start3A_183 : memref<!tpu.dma_semaphore, #tpu.memory_space<semaphore_mem>>)
    %scan3A = arith.constant 0 : i32
    %scan3A_192 = arith.constant 0 : i32
    %scan3A_193 = arith.constant 64 : i32
    %scan3A_194 = arith.addi %scan3A_192, %scan3A_193 : i32
    %scan3A_195 = arith.constant 1 : i32
    scf.for %scan3A_328 = %scan3A_192 to %scan3A_194 step %scan3A_195  : i32 {
      %rem3A = arith.constant 6 : i32
      %rem3A_329 = arith.remsi %scan3A_328, %rem3A : i32
      %add3A_330 = arith.constant 5 : i32
      %add3A_331 = arith.addi %scan3A_328, %add3A_330 : i32
      %rem3A_332 = arith.constant 6 : i32
      %rem3A_333 = arith.remsi %add3A_331, %rem3A_332 : i32
      %lt3A = arith.constant 64 : i32
      %lt3A_334 = arith.cmpi slt, %add3A_331, %lt3A : i32
      %convert_element_type3A = arith.extui %lt3A_334 : i1 to i32
      %cond3A = arith.constant 0 : i32
      %cond3A_335 = arith.cmpi ne, %convert_element_type3A, %cond3A : i32
      scf.if %cond3A_335 {
        %ge3A = arith.constant 6 : i32
        %ge3A_394 = arith.cmpi sge, %add3A_331, %ge3A : i32
        %convert_element_type3A_395 = arith.extui %ge3A_394 : i1 to i32
        %cond3A_396 = arith.constant 0 : i32
        %cond3A_397 = arith.cmpi ne, %convert_element_type3A_395, %cond3A_396 : i32
        scf.if %cond3A_397 {
          %sub3A = arith.constant 6 : i32
          %sub3A_433 = arith.subi %add3A_331, %sub3A : i32
          %mul3A_434 = arith.constant 4 : i32
          %mul3A_435 = arith.muli %sub3A_433, %mul3A_434 : i32
          %add3A_436 = arith.addi %mul3A_2, %mul3A_435 : i32
          %dma_wait3A_437 = arith.constant 0 : i32
          %dma_wait3A_438 = arith.constant 0 : i32
          %dma_wait3A_439 = arith.constant 0 : i32
          %dma_wait3A_440 = tpu.memref_slice %arg6[%rem3A_333, %dma_wait3A_437, %dma_wait3A_438, %dma_wait3A_439] : memref<6x4x4x1024xf32, #tpu.memory_space<vmem>> -> memref<1x4x4x1024xf32, #tpu.memory_space<vmem>>
          %dma_wait3A_441 = tpu.memref_squeeze %dma_wait3A_440 : memref<1x4x4x1024xf32, #tpu.memory_space<vmem>> -> memref<4x4x1024xf32, #tpu.memory_space<vmem>>
          %dma_wait3A_442 = arith.constant 0 : i32
          %dma_wait3A_443 = arith.constant 0 : i32
          %dma_wait3A_444 = tpu.memref_slice %arg4[%dma_wait3A_442, %add3A_436, %dma_wait3A_443] : memref<4x8192x1024xf32, #tpu.memory_space<hbm>> -> memref<4x4x1024xf32, #tpu.memory_space<hbm>>
          %dma_wait3A_445 = tpu.memref_slice %arg8[%rem3A_333] : memref<6x!tpu.dma_semaphore, #tpu.memory_space<semaphore_mem>> -> memref<1x!tpu.dma_semaphore, #tpu.memory_space<semaphore_mem>>
          %dma_wait3A_446 = tpu.memref_squeeze %dma_wait3A_445 : memref<1x!tpu.dma_semaphore, #tpu.memory_space<semaphore_mem>> -> memref<!tpu.dma_semaphore, #tpu.memory_space<semaphore_mem>>
          %dma_wait3A_447 = arith.constant 0 : i32
          %dma_wait3A_448 = arith.constant 0 : i32
          %dma_wait3A_449 = tpu.memref_slice %arg4[%dma_wait3A_447, %add3A_436, %dma_wait3A_448] : memref<4x8192x1024xf32, #tpu.memory_space<hbm>> -> memref<4x4x1024xf32, #tpu.memory_space<hbm>>
          %dma_wait3A_450 = arith.constant 0 : i32
          %dma_wait3A_451 = arith.constant 0 : i32
          %dma_wait3A_452 = arith.constant 0 : i32
          %dma_wait3A_453 = tpu.memref_slice %arg6[%rem3A_333, %dma_wait3A_450, %dma_wait3A_451, %dma_wait3A_452] : memref<6x4x4x1024xf32, #tpu.memory_space<vmem>> -> memref<1x4x4x1024xf32, #tpu.memory_space<vmem>>
          %dma_wait3A_454 = tpu.memref_squeeze %dma_wait3A_453 : memref<1x4x4x1024xf32, #tpu.memory_space<vmem>> -> memref<4x4x1024xf32, #tpu.memory_space<vmem>>
          tpu.wait_dma2 semaphore(%dma_wait3A_446 : memref<!tpu.dma_semaphore, #tpu.memory_space<semaphore_mem>>) src(%dma_wait3A_454 : memref<4x4x1024xf32, #tpu.memory_space<vmem>>) dst(%dma_wait3A_449 : memref<4x4x1024xf32, #tpu.memory_space<hbm>>)
        } else {
        }
        %mul3A_398 = arith.constant 4 : i32
        %mul3A_399 = arith.muli %add3A_331, %mul3A_398 : i32
        %add3A_400 = arith.addi %mul3A_2, %mul3A_399 : i32
        %dma_start3A_401 = arith.constant 0 : i32
        %dma_start3A_402 = arith.constant 0 : i32
        %dma_start3A_403 = tpu.memref_slice %arg5[%rem3A_333, %dma_start3A_401, %dma_start3A_402] : memref<6x4x1024xf32, #tpu.memory_space<vmem>> -> memref<1x4x1024xf32, #tpu.memory_space<vmem>>
        %dma_start3A_404 = tpu.memref_squeeze %dma_start3A_403 : memref<1x4x1024xf32, #tpu.memory_space<vmem>> -> memref<4x1024xf32, #tpu.memory_space<vmem>>
        %dma_start3A_405 = arith.constant 0 : i32
        %dma_start3A_406 = tpu.memref_slice %arg3[%add3A_400, %dma_start3A_405] : memref<8192x1024xf32, #tpu.memory_space<hbm>> -> memref<4x1024xf32, #tpu.memory_space<hbm>>
        %dma_start3A_407 = tpu.memref_slice %arg7[%rem3A_333] : memref<6x!tpu.dma_semaphore, #tpu.memory_space<semaphore_mem>> -> memref<1x!tpu.dma_semaphore, #tpu.memory_space<semaphore_mem>>
        %dma_start3A_408 = tpu.memref_squeeze %dma_start3A_407 : memref<1x!tpu.dma_semaphore, #tpu.memory_space<semaphore_mem>> -> memref<!tpu.dma_semaphore, #tpu.memory_space<semaphore_mem>>
        %dma_start3A_409 = arith.constant 0 : i32
        %dma_start3A_410 = arith.constant 0 : i32
        %dma_start3A_411 = tpu.memref_slice %arg5[%rem3A_333, %dma_start3A_409, %dma_start3A_410] : memref<6x4x1024xf32, #tpu.memory_space<vmem>> -> memref<1x4x1024xf32, #tpu.memory_space<vmem>>
        %dma_start3A_412 = tpu.memref_squeeze %dma_start3A_411 : memref<1x4x1024xf32, #tpu.memory_space<vmem>> -> memref<4x1024xf32, #tpu.memory_space<vmem>>
        %dma_start3A_413 = arith.constant 0 : i32
        %dma_start3A_414 = tpu.memref_slice %arg3[%add3A_400, %dma_start3A_413] : memref<8192x1024xf32, #tpu.memory_space<hbm>> -> memref<4x1024xf32, #tpu.memory_space<hbm>>
        tpu.enqueue_dma source(%dma_start3A_414 : memref<4x1024xf32, #tpu.memory_space<hbm>>) target(%dma_start3A_412 : memref<4x1024xf32, #tpu.memory_space<vmem>>) target_semaphore(%dma_start3A_408 : memref<!tpu.dma_semaphore, #tpu.memory_space<semaphore_mem>>)
        %dma_start3A_415 = arith.constant 0 : i32
        %dma_start3A_416 = arith.constant 0 : i32
        %dma_start3A_417 = arith.constant 0 : i32
        %dma_start3A_418 = tpu.memref_slice %arg6[%rem3A_333, %dma_start3A_415, %dma_start3A_416, %dma_start3A_417] : memref<6x4x4x1024xf32, #tpu.memory_space<vmem>> -> memref<1x4x4x1024xf32, #tpu.memory_space<vmem>>
        %dma_start3A_419 = tpu.memref_squeeze %dma_start3A_418 : memref<1x4x4x1024xf32, #tpu.memory_space<vmem>> -> memref<4x4x1024xf32, #tpu.memory_space<vmem>>
        %dma_start3A_420 = arith.constant 0 : i32
        %dma_start3A_421 = arith.constant 0 : i32
        %dma_start3A_422 = tpu.memref_slice %arg2[%dma_start3A_420, %add3A_400, %dma_start3A_421] : memref<4x8192x1024xf32, #tpu.memory_space<hbm>> -> memref<4x4x1024xf32, #tpu.memory_space<hbm>>
        %dma_start3A_423 = tpu.memref_slice %arg7[%rem3A_333] : memref<6x!tpu.dma_semaphore, #tpu.memory_space<semaphore_mem>> -> memref<1x!tpu.dma_semaphore, #tpu.memory_space<semaphore_mem>>
        %dma_start3A_424 = tpu.memref_squeeze %dma_start3A_423 : memref<1x!tpu.dma_semaphore, #tpu.memory_space<semaphore_mem>> -> memref<!tpu.dma_semaphore, #tpu.memory_space<semaphore_mem>>
        %dma_start3A_425 = arith.constant 0 : i32
        %dma_start3A_426 = arith.constant 0 : i32
        %dma_start3A_427 = arith.constant 0 : i32
        %dma_start3A_428 = tpu.memref_slice %arg6[%rem3A_333, %dma_start3A_425, %dma_start3A_426, %dma_start3A_427] : memref<6x4x4x1024xf32, #tpu.memory_space<vmem>> -> memref<1x4x4x1024xf32, #tpu.memory_space<vmem>>
        %dma_start3A_429 = tpu.memref_squeeze %dma_start3A_428 : memref<1x4x4x1024xf32, #tpu.memory_space<vmem>> -> memref<4x4x1024xf32, #tpu.memory_space<vmem>>
        %dma_start3A_430 = arith.constant 0 : i32
        %dma_start3A_431 = arith.constant 0 : i32
        %dma_start3A_432 = tpu.memref_slice %arg2[%dma_start3A_430, %add3A_400, %dma_start3A_431] : memref<4x8192x1024xf32, #tpu.memory_space<hbm>> -> memref<4x4x1024xf32, #tpu.memory_space<hbm>>
        tpu.enqueue_dma source(%dma_start3A_432 : memref<4x4x1024xf32, #tpu.memory_space<hbm>>) target(%dma_start3A_429 : memref<4x4x1024xf32, #tpu.memory_space<vmem>>) target_semaphore(%dma_start3A_424 : memref<!tpu.dma_semaphore, #tpu.memory_space<semaphore_mem>>)
      } else {
      }
      %mul3A_336 = arith.constant 4 : i32
      %mul3A_337 = arith.muli %scan3A_328, %mul3A_336 : i32
      %add3A_338 = arith.addi %mul3A_2, %mul3A_337 : i32
      %dma_wait3A_339 = arith.constant 0 : i32
      %dma_wait3A_340 = arith.constant 0 : i32
      %dma_wait3A_341 = tpu.memref_slice %arg5[%rem3A_329, %dma_wait3A_339, %dma_wait3A_340] : memref<6x4x1024xf32, #tpu.memory_space<vmem>> -> memref<1x4x1024xf32, #tpu.memory_space<vmem>>
      %dma_wait3A_342 = tpu.memref_squeeze %dma_wait3A_341 : memref<1x4x1024xf32, #tpu.memory_space<vmem>> -> memref<4x1024xf32, #tpu.memory_space<vmem>>
      %dma_wait3A_343 = arith.constant 0 : i32
      %dma_wait3A_344 = tpu.memref_slice %arg3[%add3A_338, %dma_wait3A_343] : memref<8192x1024xf32, #tpu.memory_space<hbm>> -> memref<4x1024xf32, #tpu.memory_space<hbm>>
      %dma_wait3A_345 = tpu.memref_slice %arg7[%rem3A_329] : memref<6x!tpu.dma_semaphore, #tpu.memory_space<semaphore_mem>> -> memref<1x!tpu.dma_semaphore, #tpu.memory_space<semaphore_mem>>
      %dma_wait3A_346 = tpu.memref_squeeze %dma_wait3A_345 : memref<1x!tpu.dma_semaphore, #tpu.memory_space<semaphore_mem>> -> memref<!tpu.dma_semaphore, #tpu.memory_space<semaphore_mem>>
      %dma_wait3A_347 = arith.constant 0 : i32
      %dma_wait3A_348 = arith.constant 0 : i32
      %dma_wait3A_349 = tpu.memref_slice %arg5[%rem3A_329, %dma_wait3A_347, %dma_wait3A_348] : memref<6x4x1024xf32, #tpu.memory_space<vmem>> -> memref<1x4x1024xf32, #tpu.memory_space<vmem>>
      %dma_wait3A_350 = tpu.memref_squeeze %dma_wait3A_349 : memref<1x4x1024xf32, #tpu.memory_space<vmem>> -> memref<4x1024xf32, #tpu.memory_space<vmem>>
      %dma_wait3A_351 = arith.constant 0 : i32
      %dma_wait3A_352 = tpu.memref_slice %arg3[%add3A_338, %dma_wait3A_351] : memref<8192x1024xf32, #tpu.memory_space<hbm>> -> memref<4x1024xf32, #tpu.memory_space<hbm>>
      tpu.wait_dma2 semaphore(%dma_wait3A_346 : memref<!tpu.dma_semaphore, #tpu.memory_space<semaphore_mem>>) src(%dma_wait3A_352 : memref<4x1024xf32, #tpu.memory_space<hbm>>) dst(%dma_wait3A_350 : memref<4x1024xf32, #tpu.memory_space<vmem>>)
      %dma_wait3A_353 = arith.constant 0 : i32
      %dma_wait3A_354 = arith.constant 0 : i32
      %dma_wait3A_355 = arith.constant 0 : i32
      %dma_wait3A_356 = tpu.memref_slice %arg6[%rem3A_329, %dma_wait3A_353, %dma_wait3A_354, %dma_wait3A_355] : memref<6x4x4x1024xf32, #tpu.memory_space<vmem>> -> memref<1x4x4x1024xf32, #tpu.memory_space<vmem>>
      %dma_wait3A_357 = tpu.memref_squeeze %dma_wait3A_356 : memref<1x4x4x1024xf32, #tpu.memory_space<vmem>> -> memref<4x4x1024xf32, #tpu.memory_space<vmem>>
      %dma_wait3A_358 = arith.constant 0 : i32
      %dma_wait3A_359 = arith.constant 0 : i32
      %dma_wait3A_360 = tpu.memref_slice %arg2[%dma_wait3A_358, %add3A_338, %dma_wait3A_359] : memref<4x8192x1024xf32, #tpu.memory_space<hbm>> -> memref<4x4x1024xf32, #tpu.memory_space<hbm>>
      %dma_wait3A_361 = tpu.memref_slice %arg7[%rem3A_329] : memref<6x!tpu.dma_semaphore, #tpu.memory_space<semaphore_mem>> -> memref<1x!tpu.dma_semaphore, #tpu.memory_space<semaphore_mem>>
      %dma_wait3A_362 = tpu.memref_squeeze %dma_wait3A_361 : memref<1x!tpu.dma_semaphore, #tpu.memory_space<semaphore_mem>> -> memref<!tpu.dma_semaphore, #tpu.memory_space<semaphore_mem>>
      %dma_wait3A_363 = arith.constant 0 : i32
      %dma_wait3A_364 = arith.constant 0 : i32
      %dma_wait3A_365 = arith.constant 0 : i32
      %dma_wait3A_366 = tpu.memref_slice %arg6[%rem3A_329, %dma_wait3A_363, %dma_wait3A_364, %dma_wait3A_365] : memref<6x4x4x1024xf32, #tpu.memory_space<vmem>> -> memref<1x4x4x1024xf32, #tpu.memory_space<vmem>>
      %dma_wait3A_367 = tpu.memref_squeeze %dma_wait3A_366 : memref<1x4x4x1024xf32, #tpu.memory_space<vmem>> -> memref<4x4x1024xf32, #tpu.memory_space<vmem>>
      %dma_wait3A_368 = arith.constant 0 : i32
      %dma_wait3A_369 = arith.constant 0 : i32
      %dma_wait3A_370 = tpu.memref_slice %arg2[%dma_wait3A_368, %add3A_338, %dma_wait3A_369] : memref<4x8192x1024xf32, #tpu.memory_space<hbm>> -> memref<4x4x1024xf32, #tpu.memory_space<hbm>>
      tpu.wait_dma2 semaphore(%dma_wait3A_362 : memref<!tpu.dma_semaphore, #tpu.memory_space<semaphore_mem>>) src(%dma_wait3A_370 : memref<4x4x1024xf32, #tpu.memory_space<hbm>>) dst(%dma_wait3A_367 : memref<4x4x1024xf32, #tpu.memory_space<vmem>>)
      %parallel_loop3A = arith.constant 0 : i32
      %parallel_loop3A_371 = arith.constant 256 : i32
      %parallel_loop3A_372 = arith.constant 1 : i32
      scf.for %parallel_loop3A_394 = %parallel_loop3A to %parallel_loop3A_371 step %parallel_loop3A_372  : i32 {
        %parallel_loop3A_395 = arith.constant 64 : i32
        %parallel_loop3A_396 = arith.divsi %parallel_loop3A_394, %parallel_loop3A_395 : i32
        %parallel_loop3A_397 = arith.constant 0 : i32
        %parallel_loop3A_398 = arith.cmpi sgt, %parallel_loop3A_394, %parallel_loop3A_397 : i32
        %parallel_loop3A_399 = arith.extui %parallel_loop3A_398 : i1 to i32
        %parallel_loop3A_400 = arith.constant 0 : i32
        %parallel_loop3A_401 = arith.cmpi slt, %parallel_loop3A_394, %parallel_loop3A_400 : i32
        %parallel_loop3A_402 = arith.extui %parallel_loop3A_401 : i1 to i32
        %parallel_loop3A_403 = arith.subi %parallel_loop3A_399, %parallel_loop3A_402 : i32
        %parallel_loop3A_404 = arith.constant 0 : i32
        %parallel_loop3A_405 = arith.cmpi sgt, %parallel_loop3A_395, %parallel_loop3A_404 : i32
        %parallel_loop3A_406 = arith.extui %parallel_loop3A_405 : i1 to i32
        %parallel_loop3A_407 = arith.constant 0 : i32
        %parallel_loop3A_408 = arith.cmpi slt, %parallel_loop3A_395, %parallel_loop3A_407 : i32
        %parallel_loop3A_409 = arith.extui %parallel_loop3A_408 : i1 to i32
        %parallel_loop3A_410 = arith.subi %parallel_loop3A_406, %parallel_loop3A_409 : i32
        %parallel_loop3A_411 = arith.cmpi ne, %parallel_loop3A_403, %parallel_loop3A_410 : i32
        %parallel_loop3A_412 = arith.remsi %parallel_loop3A_394, %parallel_loop3A_395 : i32
        %parallel_loop3A_413 = arith.constant 0 : i32
        %parallel_loop3A_414 = arith.cmpi ne, %parallel_loop3A_412, %parallel_loop3A_413 : i32
        %parallel_loop3A_415 = arith.andi %parallel_loop3A_411, %parallel_loop3A_414 : i1
        %parallel_loop3A_416 = arith.constant 1 : i32
        %parallel_loop3A_417 = arith.subi %parallel_loop3A_396, %parallel_loop3A_416 : i32
        %parallel_loop3A_418 = arith.select %parallel_loop3A_415, %parallel_loop3A_417, %parallel_loop3A_396 : i32
        %parallel_loop3A_419 = arith.constant 64 : i32
        %parallel_loop3A_420 = arith.constant 0 : i32
        %parallel_loop3A_421 = arith.cmpi eq, %parallel_loop3A_419, %parallel_loop3A_420 : i32
        %parallel_loop3A_422 = arith.constant 1 : i32
        %parallel_loop3A_423 = arith.select %parallel_loop3A_421, %parallel_loop3A_422, %parallel_loop3A_419 : i32
        %parallel_loop3A_424 = arith.remsi %parallel_loop3A_394, %parallel_loop3A_423 : i32
        %parallel_loop3A_425 = arith.constant 0 : i32
        %parallel_loop3A_426 = arith.cmpi ne, %parallel_loop3A_424, %parallel_loop3A_425 : i32
        %parallel_loop3A_427 = arith.constant 0 : i32
        %parallel_loop3A_428 = arith.cmpi slt, %parallel_loop3A_424, %parallel_loop3A_427 : i32
        %parallel_loop3A_429 = arith.constant 0 : i32
        %parallel_loop3A_430 = arith.cmpi slt, %parallel_loop3A_423, %parallel_loop3A_429 : i32
        %parallel_loop3A_431 = arith.xori %parallel_loop3A_428, %parallel_loop3A_430 : i1
        %parallel_loop3A_432 = arith.andi %parallel_loop3A_431, %parallel_loop3A_426 : i1
        %parallel_loop3A_433 = arith.addi %parallel_loop3A_424, %parallel_loop3A_423 : i32
        %parallel_loop3A_434 = arith.select %parallel_loop3A_432, %parallel_loop3A_433, %parallel_loop3A_424 : i32
        %parallel_loop3A_435 = arith.constant 16 : i32
        %parallel_loop3A_436 = arith.muli %parallel_loop3A_434, %parallel_loop3A_435 : i32
        %parallel_loop3A_437 = arith.index_cast %rem3A_329 : i32 to index
        %parallel_loop3A_438 = arith.index_cast %parallel_loop3A_418 : i32 to index
        %parallel_loop3A_439 = arith.index_cast %parallel_loop3A_436 : i32 to index
        %parallel_loop3A_440 = tpu.vector_load %arg5[%parallel_loop3A_437, %parallel_loop3A_438, %parallel_loop3A_439] {strides = array<i32>} : memref<6x4x1024xf32, #tpu.memory_space<vmem>>, vector<1x1x16xf32>,
        %parallel_loop3A_441 = vector.shape_cast %parallel_loop3A_440 : vector<1x1x16xf32> to vector<16xf32>
        %parallel_loop3A_442 = arith.constant 0 : i32
        %parallel_loop3A_443 = arith.index_cast %rem3A_329 : i32 to index
        %parallel_loop3A_444 = arith.index_cast %parallel_loop3A_442 : i32 to index
        %parallel_loop3A_445 = arith.index_cast %parallel_loop3A_418 : i32 to index
        %parallel_loop3A_446 = arith.index_cast %parallel_loop3A_436 : i32 to index
        %parallel_loop3A_447 = tpu.vector_load %arg6[%parallel_loop3A_443, %parallel_loop3A_444, %parallel_loop3A_445, %parallel_loop3A_446] {strides = array<i32>} : memref<6x4x4x1024xf32, #tpu.memory_space<vmem>>, vector<1x1x1x16xf32>,
        %parallel_loop3A_448 = vector.shape_cast %parallel_loop3A_447 : vector<1x1x1x16xf32> to vector<16xf32>
        %parallel_loop3A_449 = vector.shape_cast %parallel_loop3A_441 : vector<16xf32> to vector<1x1x1x16xf32>
        tpu.vector_store %arg6[%parallel_loop3A_443, %parallel_loop3A_444, %parallel_loop3A_445, %parallel_loop3A_446], %parallel_loop3A_449 {add = true, strides = array<i32>} : memref<6x4x4x1024xf32, #tpu.memory_space<vmem>>, vector<1x1x1x16xf32>,
        %parallel_loop3A_450 = arith.constant 1 : i32
        %parallel_loop3A_451 = arith.index_cast %rem3A_329 : i32 to index
        %parallel_loop3A_452 = arith.index_cast %parallel_loop3A_450 : i32 to index
        %parallel_loop3A_453 = arith.index_cast %parallel_loop3A_418 : i32 to index
        %parallel_loop3A_454 = arith.index_cast %parallel_loop3A_436 : i32 to index
        %parallel_loop3A_455 = tpu.vector_load %arg6[%parallel_loop3A_451, %parallel_loop3A_452, %parallel_loop3A_453, %parallel_loop3A_454] {strides = array<i32>} : memref<6x4x4x1024xf32, #tpu.memory_space<vmem>>, vector<1x1x1x16xf32>,
        %parallel_loop3A_456 = vector.shape_cast %parallel_loop3A_455 : vector<1x1x1x16xf32> to vector<16xf32>
        %parallel_loop3A_457 = vector.shape_cast %parallel_loop3A_441 : vector<16xf32> to vector<1x1x1x16xf32>
        tpu.vector_store %arg6[%parallel_loop3A_451, %parallel_loop3A_452, %parallel_loop3A_453, %parallel_loop3A_454], %parallel_loop3A_457 {add = true, strides = array<i32>} : memref<6x4x4x1024xf32, #tpu.memory_space<vmem>>, vector<1x1x1x16xf32>,
        %parallel_loop3A_458 = arith.constant 2 : i32
        %parallel_loop3A_459 = arith.index_cast %rem3A_329 : i32 to index
        %parallel_loop3A_460 = arith.index_cast %parallel_loop3A_458 : i32 to index
        %parallel_loop3A_461 = arith.index_cast %parallel_loop3A_418 : i32 to index
        %parallel_loop3A_462 = arith.index_cast %parallel_loop3A_436 : i32 to index
        %parallel_loop3A_463 = tpu.vector_load %arg6[%parallel_loop3A_459, %parallel_loop3A_460, %parallel_loop3A_461, %parallel_loop3A_462] {strides = array<i32>} : memref<6x4x4x1024xf32, #tpu.memory_space<vmem>>, vector<1x1x1x16xf32>,
        %parallel_loop3A_464 = vector.shape_cast %parallel_loop3A_463 : vector<1x1x1x16xf32> to vector<16xf32>
        %parallel_loop3A_465 = vector.shape_cast %parallel_loop3A_441 : vector<16xf32> to vector<1x1x1x16xf32>
        tpu.vector_store %arg6[%parallel_loop3A_459, %parallel_loop3A_460, %parallel_loop3A_461, %parallel_loop3A_462], %parallel_loop3A_465 {add = true, strides = array<i32>} : memref<6x4x4x1024xf32, #tpu.memory_space<vmem>>, vector<1x1x1x16xf32>,
        %parallel_loop3A_466 = arith.constant 3 : i32
        %parallel_loop3A_467 = arith.index_cast %rem3A_329 : i32 to index
        %parallel_loop3A_468 = arith.index_cast %parallel_loop3A_466 : i32 to index
        %parallel_loop3A_469 = arith.index_cast %parallel_loop3A_418 : i32 to index
        %parallel_loop3A_470 = arith.index_cast %parallel_loop3A_436 : i32 to index
        %parallel_loop3A_471 = tpu.vector_load %arg6[%parallel_loop3A_467, %parallel_loop3A_468, %parallel_loop3A_469, %parallel_loop3A_470] {strides = array<i32>} : memref<6x4x4x1024xf32, #tpu.memory_space<vmem>>, vector<1x1x1x16xf32>,
        %parallel_loop3A_472 = vector.shape_cast %parallel_loop3A_471 : vector<1x1x1x16xf32> to vector<16xf32>
        %parallel_loop3A_473 = vector.shape_cast %parallel_loop3A_441 : vector<16xf32> to vector<1x1x1x16xf32>
        tpu.vector_store %arg6[%parallel_loop3A_467, %parallel_loop3A_468, %parallel_loop3A_469, %parallel_loop3A_470], %parallel_loop3A_473 {add = true, strides = array<i32>} : memref<6x4x4x1024xf32, #tpu.memory_space<vmem>>, vector<1x1x1x16xf32>,
      } {sc.loop_unroll_factor = 8 : i64, sc.parallel_access}
      %mul3A_373 = arith.constant 4 : i32
      %mul3A_374 = arith.muli %scan3A_328, %mul3A_373 : i32
      %add3A_375 = arith.addi %mul3A_2, %mul3A_374 : i32
      %dma_start3A_376 = arith.constant 0 : i32
      %dma_start3A_377 = arith.constant 0 : i32
      %dma_start3A_378 = arith.constant 0 : i32
      %dma_start3A_379 = tpu.memref_slice %arg6[%rem3A_329, %dma_start3A_376, %dma_start3A_377, %dma_start3A_378] : memref<6x4x4x1024xf32, #tpu.memory_space<vmem>> -> memref<1x4x4x1024xf32, #tpu.memory_space<vmem>>
      %dma_start3A_380 = tpu.memref_squeeze %dma_start3A_379 : memref<1x4x4x1024xf32, #tpu.memory_space<vmem>> -> memref<4x4x1024xf32, #tpu.memory_space<vmem>>
      %dma_start3A_381 = arith.constant 0 : i32
      %dma_start3A_382 = arith.constant 0 : i32
      %dma_start3A_383 = tpu.memref_slice %arg4[%dma_start3A_381, %add3A_375, %dma_start3A_382] : memref<4x8192x1024xf32, #tpu.memory_space<hbm>> -> memref<4x4x1024xf32, #tpu.memory_space<hbm>>
      %dma_start3A_384 = tpu.memref_slice %arg8[%rem3A_329] : memref<6x!tpu.dma_semaphore, #tpu.memory_space<semaphore_mem>> -> memref<1x!tpu.dma_semaphore, #tpu.memory_space<semaphore_mem>>
      %dma_start3A_385 = tpu.memref_squeeze %dma_start3A_384 : memref<1x!tpu.dma_semaphore, #tpu.memory_space<semaphore_mem>> -> memref<!tpu.dma_semaphore, #tpu.memory_space<semaphore_mem>>
      %dma_start3A_386 = arith.constant 0 : i32
      %dma_start3A_387 = arith.constant 0 : i32
      %dma_start3A_388 = tpu.memref_slice %arg4[%dma_start3A_386, %add3A_375, %dma_start3A_387] : memref<4x8192x1024xf32, #tpu.memory_space<hbm>> -> memref<4x4x1024xf32, #tpu.memory_space<hbm>>
      %dma_start3A_389 = arith.constant 0 : i32
      %dma_start3A_390 = arith.constant 0 : i32
      %dma_start3A_391 = arith.constant 0 : i32
      %dma_start3A_392 = tpu.memref_slice %arg6[%rem3A_329, %dma_start3A_389, %dma_start3A_390, %dma_start3A_391] : memref<6x4x4x1024xf32, #tpu.memory_space<vmem>> -> memref<1x4x4x1024xf32, #tpu.memory_space<vmem>>
      %dma_start3A_393 = tpu.memref_squeeze %dma_start3A_392 : memref<1x4x4x1024xf32, #tpu.memory_space<vmem>> -> memref<4x4x1024xf32, #tpu.memory_space<vmem>>
      tpu.enqueue_dma source(%dma_start3A_393 : memref<4x4x1024xf32, #tpu.memory_space<vmem>>) target(%dma_start3A_388 : memref<4x4x1024xf32, #tpu.memory_space<hbm>>) target_semaphore(%dma_start3A_385 : memref<!tpu.dma_semaphore, #tpu.memory_space<semaphore_mem>>)
    }
    %scan3A_196 = arith.constant 64 : i32
    %add3A_197 = arith.constant 232 : i32
    %add3A_198 = arith.addi %mul3A_2, %add3A_197 : i32
    %dma_wait3A = arith.constant 4 : i32
    %dma_wait3A_199 = arith.constant 4 : i32
    %dma_wait3A_200 = arith.constant 0 : i32
    %dma_wait3A_201 = arith.constant 0 : i32
    %dma_wait3A_202 = arith.constant 0 : i32
    %dma_wait3A_203 = tpu.memref_slice %arg6[%dma_wait3A, %dma_wait3A_200, %dma_wait3A_201, %dma_wait3A_202] : memref<6x4x4x1024xf32, #tpu.memory_space<vmem>> -> memref<1x4x4x1024xf32, #tpu.memory_space<vmem>>
    %dma_wait3A_204 = tpu.memref_squeeze %dma_wait3A_203 : memref<1x4x4x1024xf32, #tpu.memory_space<vmem>> -> memref<4x4x1024xf32, #tpu.memory_space<vmem>>
    %dma_wait3A_205 = arith.constant 0 : i32
    %dma_wait3A_206 = arith.constant 0 : i32
    %dma_wait3A_207 = tpu.memref_slice %arg4[%dma_wait3A_205, %add3A_198, %dma_wait3A_206] : memref<4x8192x1024xf32, #tpu.memory_space<hbm>> -> memref<4x4x1024xf32, #tpu.memory_space<hbm>>
    %dma_wait3A_208 = tpu.memref_slice %arg8[%dma_wait3A_199] : memref<6x!tpu.dma_semaphore, #tpu.memory_space<semaphore_mem>> -> memref<1x!tpu.dma_semaphore, #tpu.memory_space<semaphore_mem>>
    %dma_wait3A_209 = tpu.memref_squeeze %dma_wait3A_208 : memref<1x!tpu.dma_semaphore, #tpu.memory_space<semaphore_mem>> -> memref<!tpu.dma_semaphore, #tpu.memory_space<semaphore_mem>>
    %dma_wait3A_210 = arith.constant 0 : i32
    %dma_wait3A_211 = arith.constant 0 : i32
    %dma_wait3A_212 = tpu.memref_slice %arg4[%dma_wait3A_210, %add3A_198, %dma_wait3A_211] : memref<4x8192x1024xf32, #tpu.memory_space<hbm>> -> memref<4x4x1024xf32, #tpu.memory_space<hbm>>
    %dma_wait3A_213 = arith.constant 0 : i32
    %dma_wait3A_214 = arith.constant 0 : i32
    %dma_wait3A_215 = arith.constant 0 : i32
    %dma_wait3A_216 = tpu.memref_slice %arg6[%dma_wait3A, %dma_wait3A_213, %dma_wait3A_214, %dma_wait3A_215] : memref<6x4x4x1024xf32, #tpu.memory_space<vmem>> -> memref<1x4x4x1024xf32, #tpu.memory_space<vmem>>
    %dma_wait3A_217 = tpu.memref_squeeze %dma_wait3A_216 : memref<1x4x4x1024xf32, #tpu.memory_space<vmem>> -> memref<4x4x1024xf32, #tpu.memory_space<vmem>>
    tpu.wait_dma2 semaphore(%dma_wait3A_209 : memref<!tpu.dma_semaphore, #tpu.memory_space<semaphore_mem>>) src(%dma_wait3A_217 : memref<4x4x1024xf32, #tpu.memory_space<vmem>>) dst(%dma_wait3A_212 : memref<4x4x1024xf32, #tpu.memory_space<hbm>>)
    %add3A_218 = arith.constant 236 : i32
    %add3A_219 = arith.addi %mul3A_2, %add3A_218 : i32
    %dma_wait3A_220 = arith.constant 5 : i32
    %dma_wait3A_221 = arith.constant 5 : i32
    %dma_wait3A_222 = arith.constant 0 : i32
    %dma_wait3A_223 = arith.constant 0 : i32
    %dma_wait3A_224 = arith.constant 0 : i32
    %dma_wait3A_225 = tpu.memref_slice %arg6[%dma_wait3A_220, %dma_wait3A_222, %dma_wait3A_223, %dma_wait3A_224] : memref<6x4x4x1024xf32, #tpu.memory_space<vmem>> -> memref<1x4x4x1024xf32, #tpu.memory_space<vmem>>
    %dma_wait3A_226 = tpu.memref_squeeze %dma_wait3A_225 : memref<1x4x4x1024xf32, #tpu.memory_space<vmem>> -> memref<4x4x1024xf32, #tpu.memory_space<vmem>>
    %dma_wait3A_227 = arith.constant 0 : i32
    %dma_wait3A_228 = arith.constant 0 : i32
    %dma_wait3A_229 = tpu.memref_slice %arg4[%dma_wait3A_227, %add3A_219, %dma_wait3A_228] : memref<4x8192x1024xf32, #tpu.memory_space<hbm>> -> memref<4x4x1024xf32, #tpu.memory_space<hbm>>
    %dma_wait3A_230 = tpu.memref_slice %arg8[%dma_wait3A_221] : memref<6x!tpu.dma_semaphore, #tpu.memory_space<semaphore_mem>> -> memref<1x!tpu.dma_semaphore, #tpu.memory_space<semaphore_mem>>
    %dma_wait3A_231 = tpu.memref_squeeze %dma_wait3A_230 : memref<1x!tpu.dma_semaphore, #tpu.memory_space<semaphore_mem>> -> memref<!tpu.dma_semaphore, #tpu.memory_space<semaphore_mem>>
    %dma_wait3A_232 = arith.constant 0 : i32
    %dma_wait3A_233 = arith.constant 0 : i32
    %dma_wait3A_234 = tpu.memref_slice %arg4[%dma_wait3A_232, %add3A_219, %dma_wait3A_233] : memref<4x8192x1024xf32, #tpu.memory_space<hbm>> -> memref<4x4x1024xf32, #tpu.memory_space<hbm>>
    %dma_wait3A_235 = arith.constant 0 : i32
    %dma_wait3A_236 = arith.constant 0 : i32
    %dma_wait3A_237 = arith.constant 0 : i32
    %dma_wait3A_238 = tpu.memref_slice %arg6[%dma_wait3A_220, %dma_wait3A_235, %dma_wait3A_236, %dma_wait3A_237] : memref<6x4x4x1024xf32, #tpu.memory_space<vmem>> -> memref<1x4x4x1024xf32, #tpu.memory_space<vmem>>
    %dma_wait3A_239 = tpu.memref_squeeze %dma_wait3A_238 : memref<1x4x4x1024xf32, #tpu.memory_space<vmem>> -> memref<4x4x1024xf32, #tpu.memory_space<vmem>>
    tpu.wait_dma2 semaphore(%dma_wait3A_231 : memref<!tpu.dma_semaphore, #tpu.memory_space<semaphore_mem>>) src(%dma_wait3A_239 : memref<4x4x1024xf32, #tpu.memory_space<vmem>>) dst(%dma_wait3A_234 : memref<4x4x1024xf32, #tpu.memory_space<hbm>>)
    %add3A_240 = arith.constant 240 : i32
    %add3A_241 = arith.addi %mul3A_2, %add3A_240 : i32
    %dma_wait3A_242 = arith.constant 0 : i32
    %dma_wait3A_243 = arith.constant 0 : i32
    %dma_wait3A_244 = arith.constant 0 : i32
    %dma_wait3A_245 = arith.constant 0 : i32
    %dma_wait3A_246 = arith.constant 0 : i32
    %dma_wait3A_247 = tpu.memref_slice %arg6[%dma_wait3A_242, %dma_wait3A_244, %dma_wait3A_245, %dma_wait3A_246] : memref<6x4x4x1024xf32, #tpu.memory_space<vmem>> -> memref<1x4x4x1024xf32, #tpu.memory_space<vmem>>
    %dma_wait3A_248 = tpu.memref_squeeze %dma_wait3A_247 : memref<1x4x4x1024xf32, #tpu.memory_space<vmem>> -> memref<4x4x1024xf32, #tpu.memory_space<vmem>>
    %dma_wait3A_249 = arith.constant 0 : i32
    %dma_wait3A_250 = arith.constant 0 : i32
    %dma_wait3A_251 = tpu.memref_slice %arg4[%dma_wait3A_249, %add3A_241, %dma_wait3A_250] : memref<4x8192x1024xf32, #tpu.memory_space<hbm>> -> memref<4x4x1024xf32, #tpu.memory_space<hbm>>
    %dma_wait3A_252 = tpu.memref_slice %arg8[%dma_wait3A_243] : memref<6x!tpu.dma_semaphore, #tpu.memory_space<semaphore_mem>> -> memref<1x!tpu.dma_semaphore, #tpu.memory_space<semaphore_mem>>
    %dma_wait3A_253 = tpu.memref_squeeze %dma_wait3A_252 : memref<1x!tpu.dma_semaphore, #tpu.memory_space<semaphore_mem>> -> memref<!tpu.dma_semaphore, #tpu.memory_space<semaphore_mem>>
    %dma_wait3A_254 = arith.constant 0 : i32
    %dma_wait3A_255 = arith.constant 0 : i32
    %dma_wait3A_256 = tpu.memref_slice %arg4[%dma_wait3A_254, %add3A_241, %dma_wait3A_255] : memref<4x8192x1024xf32, #tpu.memory_space<hbm>> -> memref<4x4x1024xf32, #tpu.memory_space<hbm>>
    %dma_wait3A_257 = arith.constant 0 : i32
    %dma_wait3A_258 = arith.constant 0 : i32
    %dma_wait3A_259 = arith.constant 0 : i32
    %dma_wait3A_260 = tpu.memref_slice %arg6[%dma_wait3A_242, %dma_wait3A_257, %dma_wait3A_258, %dma_wait3A_259] : memref<6x4x4x1024xf32, #tpu.memory_space<vmem>> -> memref<1x4x4x1024xf32, #tpu.memory_space<vmem>>
    %dma_wait3A_261 = tpu.memref_squeeze %dma_wait3A_260 : memref<1x4x4x1024xf32, #tpu.memory_space<vmem>> -> memref<4x4x1024xf32, #tpu.memory_space<vmem>>
    tpu.wait_dma2 semaphore(%dma_wait3A_253 : memref<!tpu.dma_semaphore, #tpu.memory_space<semaphore_mem>>) src(%dma_wait3A_261 : memref<4x4x1024xf32, #tpu.memory_space<vmem>>) dst(%dma_wait3A_256 : memref<4x4x1024xf32, #tpu.memory_space<hbm>>)
    %add3A_262 = arith.constant 244 : i32
    %add3A_263 = arith.addi %mul3A_2, %add3A_262 : i32
    %dma_wait3A_264 = arith.constant 1 : i32
    %dma_wait3A_265 = arith.constant 1 : i32
    %dma_wait3A_266 = arith.constant 0 : i32
    %dma_wait3A_267 = arith.constant 0 : i32
    %dma_wait3A_268 = arith.constant 0 : i32
    %dma_wait3A_269 = tpu.memref_slice %arg6[%dma_wait3A_264, %dma_wait3A_266, %dma_wait3A_267, %dma_wait3A_268] : memref<6x4x4x1024xf32, #tpu.memory_space<vmem>> -> memref<1x4x4x1024xf32, #tpu.memory_space<vmem>>
    %dma_wait3A_270 = tpu.memref_squeeze %dma_wait3A_269 : memref<1x4x4x1024xf32, #tpu.memory_space<vmem>> -> memref<4x4x1024xf32, #tpu.memory_space<vmem>>
    %dma_wait3A_271 = arith.constant 0 : i32
    %dma_wait3A_272 = arith.constant 0 : i32
    %dma_wait3A_273 = tpu.memref_slice %arg4[%dma_wait3A_271, %add3A_263, %dma_wait3A_272] : memref<4x8192x1024xf32, #tpu.memory_space<hbm>> -> memref<4x4x1024xf32, #tpu.memory_space<hbm>>
    %dma_wait3A_274 = tpu.memref_slice %arg8[%dma_wait3A_265] : memref<6x!tpu.dma_semaphore, #tpu.memory_space<semaphore_mem>> -> memref<1x!tpu.dma_semaphore, #tpu.memory_space<semaphore_mem>>
    %dma_wait3A_275 = tpu.memref_squeeze %dma_wait3A_274 : memref<1x!tpu.dma_semaphore, #tpu.memory_space<semaphore_mem>> -> memref<!tpu.dma_semaphore, #tpu.memory_space<semaphore_mem>>
    %dma_wait3A_276 = arith.constant 0 : i32
    %dma_wait3A_277 = arith.constant 0 : i32
    %dma_wait3A_278 = tpu.memref_slice %arg4[%dma_wait3A_276, %add3A_263, %dma_wait3A_277] : memref<4x8192x1024xf32, #tpu.memory_space<hbm>> -> memref<4x4x1024xf32, #tpu.memory_space<hbm>>
    %dma_wait3A_279 = arith.constant 0 : i32
    %dma_wait3A_280 = arith.constant 0 : i32
    %dma_wait3A_281 = arith.constant 0 : i32
    %dma_wait3A_282 = tpu.memref_slice %arg6[%dma_wait3A_264, %dma_wait3A_279, %dma_wait3A_280, %dma_wait3A_281] : memref<6x4x4x1024xf32, #tpu.memory_space<vmem>> -> memref<1x4x4x1024xf32, #tpu.memory_space<vmem>>
    %dma_wait3A_283 = tpu.memref_squeeze %dma_wait3A_282 : memref<1x4x4x1024xf32, #tpu.memory_space<vmem>> -> memref<4x4x1024xf32, #tpu.memory_space<vmem>>
    tpu.wait_dma2 semaphore(%dma_wait3A_275 : memref<!tpu.dma_semaphore, #tpu.memory_space<semaphore_mem>>) src(%dma_wait3A_283 : memref<4x4x1024xf32, #tpu.memory_space<vmem>>) dst(%dma_wait3A_278 : memref<4x4x1024xf32, #tpu.memory_space<hbm>>)
    %add3A_284 = arith.constant 248 : i32
    %add3A_285 = arith.addi %mul3A_2, %add3A_284 : i32
    %dma_wait3A_286 = arith.constant 2 : i32
    %dma_wait3A_287 = arith.constant 2 : i32
    %dma_wait3A_288 = arith.constant 0 : i32
    %dma_wait3A_289 = arith.constant 0 : i32
    %dma_wait3A_290 = arith.constant 0 : i32
    %dma_wait3A_291 = tpu.memref_slice %arg6[%dma_wait3A_286, %dma_wait3A_288, %dma_wait3A_289, %dma_wait3A_290] : memref<6x4x4x1024xf32, #tpu.memory_space<vmem>> -> memref<1x4x4x1024xf32, #tpu.memory_space<vmem>>
    %dma_wait3A_292 = tpu.memref_squeeze %dma_wait3A_291 : memref<1x4x4x1024xf32, #tpu.memory_space<vmem>> -> memref<4x4x1024xf32, #tpu.memory_space<vmem>>
    %dma_wait3A_293 = arith.constant 0 : i32
    %dma_wait3A_294 = arith.constant 0 : i32
    %dma_wait3A_295 = tpu.memref_slice %arg4[%dma_wait3A_293, %add3A_285, %dma_wait3A_294] : memref<4x8192x1024xf32, #tpu.memory_space<hbm>> -> memref<4x4x1024xf32, #tpu.memory_space<hbm>>
    %dma_wait3A_296 = tpu.memref_slice %arg8[%dma_wait3A_287] : memref<6x!tpu.dma_semaphore, #tpu.memory_space<semaphore_mem>> -> memref<1x!tpu.dma_semaphore, #tpu.memory_space<semaphore_mem>>
    %dma_wait3A_297 = tpu.memref_squeeze %dma_wait3A_296 : memref<1x!tpu.dma_semaphore, #tpu.memory_space<semaphore_mem>> -> memref<!tpu.dma_semaphore, #tpu.memory_space<semaphore_mem>>
    %dma_wait3A_298 = arith.constant 0 : i32
    %dma_wait3A_299 = arith.constant 0 : i32
    %dma_wait3A_300 = tpu.memref_slice %arg4[%dma_wait3A_298, %add3A_285, %dma_wait3A_299] : memref<4x8192x1024xf32, #tpu.memory_space<hbm>> -> memref<4x4x1024xf32, #tpu.memory_space<hbm>>
    %dma_wait3A_301 = arith.constant 0 : i32
    %dma_wait3A_302 = arith.constant 0 : i32
    %dma_wait3A_303 = arith.constant 0 : i32
    %dma_wait3A_304 = tpu.memref_slice %arg6[%dma_wait3A_286, %dma_wait3A_301, %dma_wait3A_302, %dma_wait3A_303] : memref<6x4x4x1024xf32, #tpu.memory_space<vmem>> -> memref<1x4x4x1024xf32, #tpu.memory_space<vmem>>
    %dma_wait3A_305 = tpu.memref_squeeze %dma_wait3A_304 : memref<1x4x4x1024xf32, #tpu.memory_space<vmem>> -> memref<4x4x1024xf32, #tpu.memory_space<vmem>>
    tpu.wait_dma2 semaphore(%dma_wait3A_297 : memref<!tpu.dma_semaphore, #tpu.memory_space<semaphore_mem>>) src(%dma_wait3A_305 : memref<4x4x1024xf32, #tpu.memory_space<vmem>>) dst(%dma_wait3A_300 : memref<4x4x1024xf32, #tpu.memory_space<hbm>>)
    %add3A_306 = arith.constant 252 : i32
    %add3A_307 = arith.addi %mul3A_2, %add3A_306 : i32
    %dma_wait3A_308 = arith.constant 3 : i32
    %dma_wait3A_309 = arith.constant 3 : i32
    %dma_wait3A_310 = arith.constant 0 : i32
    %dma_wait3A_311 = arith.constant 0 : i32
    %dma_wait3A_312 = arith.constant 0 : i32
    %dma_wait3A_313 = tpu.memref_slice %arg6[%dma_wait3A_308, %dma_wait3A_310, %dma_wait3A_311, %dma_wait3A_312] : memref<6x4x4x1024xf32, #tpu.memory_space<vmem>> -> memref<1x4x4x1024xf32, #tpu.memory_space<vmem>>
    %dma_wait3A_314 = tpu.memref_squeeze %dma_wait3A_313 : memref<1x4x4x1024xf32, #tpu.memory_space<vmem>> -> memref<4x4x1024xf32, #tpu.memory_space<vmem>>
    %dma_wait3A_315 = arith.constant 0 : i32
    %dma_wait3A_316 = arith.constant 0 : i32
    %dma_wait3A_317 = tpu.memref_slice %arg4[%dma_wait3A_315, %add3A_307, %dma_wait3A_316] : memref<4x8192x1024xf32, #tpu.memory_space<hbm>> -> memref<4x4x1024xf32, #tpu.memory_space<hbm>>
    %dma_wait3A_318 = tpu.memref_slice %arg8[%dma_wait3A_309] : memref<6x!tpu.dma_semaphore, #tpu.memory_space<semaphore_mem>> -> memref<1x!tpu.dma_semaphore, #tpu.memory_space<semaphore_mem>>
    %dma_wait3A_319 = tpu.memref_squeeze %dma_wait3A_318 : memref<1x!tpu.dma_semaphore, #tpu.memory_space<semaphore_mem>> -> memref<!tpu.dma_semaphore, #tpu.memory_space<semaphore_mem>>
    %dma_wait3A_320 = arith.constant 0 : i32
    %dma_wait3A_321 = arith.constant 0 : i32
    %dma_wait3A_322 = tpu.memref_slice %arg4[%dma_wait3A_320, %add3A_307, %dma_wait3A_321] : memref<4x8192x1024xf32, #tpu.memory_space<hbm>> -> memref<4x4x1024xf32, #tpu.memory_space<hbm>>
    %dma_wait3A_323 = arith.constant 0 : i32
    %dma_wait3A_324 = arith.constant 0 : i32
    %dma_wait3A_325 = arith.constant 0 : i32
    %dma_wait3A_326 = tpu.memref_slice %arg6[%dma_wait3A_308, %dma_wait3A_323, %dma_wait3A_324, %dma_wait3A_325] : memref<6x4x4x1024xf32, #tpu.memory_space<vmem>> -> memref<1x4x4x1024xf32, #tpu.memory_space<vmem>>
    %dma_wait3A_327 = tpu.memref_squeeze %dma_wait3A_326 : memref<1x4x4x1024xf32, #tpu.memory_space<vmem>> -> memref<4x4x1024xf32, #tpu.memory_space<vmem>>
    tpu.wait_dma2 semaphore(%dma_wait3A_319 : memref<!tpu.dma_semaphore, #tpu.memory_space<semaphore_mem>>) src(%dma_wait3A_327 : memref<4x4x1024xf32, #tpu.memory_space<vmem>>) dst(%dma_wait3A_322 : memref<4x4x1024xf32, #tpu.memory_space<hbm>>)
    return
  }
}

</mosaic_0001>

<sc_bundles>
// kernel: kernel.3.cloned.1.call-start
scs
__scs_entry_jumppad:
0x0: {  	(pc) =	sbr.rel $0x88, $3  }
0x1: {  	(tag) =	ssettag $0x0;
	lr =	simm.s32 $0x1  }
0x2: {  	[smem:$0x3F9F] =	sst lr;
	_ =	strace $0xD0000000  }
0x3: {  	_ = 	snop  }
0x4: {  	_ = 	snop  }
0x5: {  	_ = 	snop  }
0x6: {  	_ = 	snop  }
0x7: {  	_ = 	snop  }
__scs_overlays_trampoline_lowered:
0x8: {  	[smem:$0x3FAE] =	sst s0  }
0x9: {  	[smem:$0x3FAF] =	sst s1  }
0xa: {  	[smem:$0x3FB0] =	sst s2  }
0xb: {  	[smem:$0x3FB1] =	sst s3  }
0xc: {  	[smem:$0x3FB2] =	sst s4  }
0xd: {  	[smem:$0x3FB3] =	sst s5  }
0xe: {  	[smem:$0x3FB4] =	sst s6  }
0xf: {  	[smem:$0x3FB5] =	sst s7  }
0x10: {  	[smem:$0x3FB6] =	sst s8  }
0x11: {  	[smem:$0x3FB7] =	sst s9;
	s0 =	simm.s32 @!p0 $0x0  }
0x12: {  	s1 =	sld [smem:$0x3F9D];
	s0 =	simm.s32 @p0 $0x1  }
0x13: {  	[smem:$0x3FB8] =	sst s0;
	s0 =	simm.s32 @!p1 $0x0  }
0x14: {  	s2 =	sld [smem:$0x3F9C];
	s0 =	simm.s32 @p1 $0x1  }
0x15: {  	[smem:$0x3FB9] =	sst s0;
	s0 =	simm.s32 @!p2 $0x0  }
0x16: {  	s3 =	sld [smem:$0x3FDB];
	s0 =	simm.s32 @p2 $0x1  }
0x17: {  	s4 =	simm.s32 $0x1BF5;
	[smem:$0x3FBB] =	sst s0  }
0x18: {  	s0 =	sld [smem:$0x3F9E];
	_ =	swait.ge [sflag:s4], $0x0  }
0x19: {  	s7 =	sld [smem:$0x3F9F]  }
0x1a: {  	s8 =	sadd.s32 $0xFFFFE003, lr  }
0x1b: {  	s9 =	sadd.s32 $0xFFFFFEF7, lr;
	s5 =	simm.s32 $0xFFFFFFFF;
	p2 =	slt.u32 s8, $0xFFFFF086  }
0x1c: {  	p1 =	slt.u32 s9, $0xF7A;
	s5 =	simm.s32 @!p2 $0x0  }
0x1d: {  	s5 =	simm.s32 @p1 $0x1;
	p0 =	seq.s32 s7, s2  }
0x1e: {  	s7 =	smul.u32 @!p0 $0xF7A, s2;
	p2 =	seq.s32 @!p0 s5, $0x0  }
0x1f: {  	s9 =	smul.u32 $0xF7A, s1;
	s8 =	simm.s32 @!p0 $0x1BF5;
	p2 =	por !p2, p0  }
0x20: {  	[sflag:s8] =	ssyncset.s32 @!p0 $0xFFFFF086;
	s6 =	sadd.s32 @!p0 s3, s7;
	s7 =	simm.s32 @!p0 $0x108  }
0x21: {  	s3 =	sadd.s32 s3, s9;
	s6 =	sadd.s32 @!p0 $0x88, s6;
	s7 =	simm.s32 @p2 $0x1082  }
0x22: {  	[simem:s7], [sflag:s8] =	dma.local @!p0 [hbm:s6], $0xF7A  }
0x23: {  	s9 =	sor.u32 $0xD0000000, s2;
	s6 =	simm.s32 $0x108;
	_ =	swait.ge @!p0 [sflag:s8], $0x0  }
0x24: {  	s3 =	sadd.s32 $0x88, s3;
	s6 =	simm.s32 @!p1 $0x1082;
	[sflag:s4] =	ssyncset.s32 $0xFFFFF086  }
0x25: {  	[simem:s6], [sflag:s4] =	dma.local [hbm:s3], $0xF7A  }
0x26: {  	[smem:$0x3F9F] =	sst s1;
	(tag) =	ssettag s2;
	_ =	strace s9  }
0x27: {  	s1 =	sld [smem:$0x3FAF]  }
0x28: {  	s2 =	sld [smem:$0x3FB0]  }
0x29: {  	s4 =	sld [smem:$0x3FB2]  }
0x2a: {  	p0 =	seq.s32 s5, $0x0;
	s5 =	sld [smem:$0x3FB3]  }
0x2b: {  	s6 =	sld [smem:$0x3FB4]  }
0x2c: {  	s7 =	sld [smem:$0x3FB5]  }
0x2d: {  	s3 =	simm.s32 $0x108;
	s8 =	sld [smem:$0x3FB6]  }
0x2e: {  	s3 =	simm.s32 @!p0 $0x1082;
	s9 =	sld [smem:$0x3FB7]  }
0x2f: {  	lr =	sadd.s32 s0, s3;
	s0 =	sld [smem:$0x3FAE]  }
0x30: {  	s3 =	sld [smem:$0x3FB1]  }
0x31: {  	[smem:$0x3FBA] =	sst s10  }
0x32: {  	s10 =	sld [smem:$0x3FB8];
	_ =	sdelay $0x3  }
0x33: {  	p0 =	seq.s32 s10, $0x1;
	s10 =	sld [smem:$0x3FBA];
	_ =	sdelay $0x3  }
0x34: {  	[smem:$0x3FBA] =	sst s10  }
0x35: {  	s10 =	sld [smem:$0x3FB9];
	_ =	sdelay $0x3  }
0x36: {  	p1 =	seq.s32 s10, $0x1;
	s10 =	sld [smem:$0x3FBA];
	_ =	sdelay $0x3  }
0x37: {  	[smem:$0x3FBA] =	sst s10  }
0x38: {  	s10 =	sld [smem:$0x3FBB]  }
0x39: {  	_ = 	snop;
	(pc) =	sbr.ind lr, $3  }
0x3a: {  	_ = 	snop  }
0x3b: {  	_ = 	snop  }
0x3c: {  	p2 =	seq.s32 s10, $0x1;
	s10 =	sld [smem:$0x3FBA]  }
0x3d: {  	_ =	shalt  }
0x3e: {  	_ =	shalt  }
0x3f: {  	_ =	shalt  }
0x40: {  	_ =	shalt  }
0x41: {  	_ =	shalt  }
0x42: {  	_ =	shalt  }
0x43: {  	_ =	shalt  }
0x44: {  	_ =	shalt  }
0x45: {  	_ =	shalt  }
0x46: {  	_ =	shalt  }
0x47: {  	_ =	shalt  }
0x48: {  	_ =	shalt  }
0x49: {  	_ =	shalt  }
0x4a: {  	_ =	shalt  }
0x4b: {  	_ =	shalt  }
0x4c: {  	_ =	shalt  }
0x4d: {  	_ =	shalt  }
0x4e: {  	_ =	shalt  }
0x4f: {  	_ =	shalt  }
0x50: {  	_ =	shalt  }
0x51: {  	_ =	shalt  }
0x52: {  	_ =	shalt  }
0x53: {  	_ =	shalt  }
0x54: {  	_ =	shalt  }
0x55: {  	_ =	shalt  }
0x56: {  	_ =	shalt  }
0x57: {  	_ =	shalt  }
0x58: {  	_ =	shalt  }
0x59: {  	_ =	shalt  }
0x5a: {  	_ =	shalt  }
0x5b: {  	_ =	shalt  }
0x5c: {  	_ =	shalt  }
0x5d: {  	_ =	shalt  }
0x5e: {  	_ =	shalt  }
0x5f: {  	_ =	shalt  }
0x60: {  	_ =	shalt  }
0x61: {  	_ =	shalt  }
0x62: {  	_ =	shalt  }
0x63: {  	_ =	shalt  }
0x64: {  	_ =	shalt  }
0x65: {  	_ =	shalt  }
0x66: {  	_ =	shalt  }
0x67: {  	_ =	shalt  }
0x68: {  	_ =	shalt  }
0x69: {  	_ =	shalt  }
0x6a: {  	_ =	shalt  }
0x6b: {  	_ =	shalt  }
0x6c: {  	_ =	shalt  }
0x6d: {  	_ =	shalt  }
0x6e: {  	_ =	shalt  }
0x6f: {  	_ =	shalt  }
0x70: {  	_ =	shalt  }
0x71: {  	_ =	shalt  }
0x72: {  	_ =	shalt  }
0x73: {  	_ =	shalt  }
0x74: {  	_ =	shalt  }
0x75: {  	_ =	shalt  }
0x76: {  	_ =	shalt  }
0x77: {  	_ =	shalt  }
0x78: {  	_ =	shalt  }
0x79: {  	_ =	shalt  }
0x7a: {  	_ =	shalt  }
0x7b: {  	_ =	shalt  }
0x7c: {  	_ =	shalt  }
0x7d: {  	_ =	shalt  }
0x7e: {  	_ =	shalt  }
0x7f: {  	_ =	shalt  }
0x80: {  	_ =	shalt  }
0x81: {  	_ =	shalt  }
0x82: {  	_ =	shalt  }
0x83: {  	_ =	shalt  }
0x84: {  	_ =	shalt  }
0x85: {  	_ =	shalt  }
0x86: {  	_ =	shalt  }
0x87: {  	_ =	shalt  }
.Lfunc_end0:
.L_simem_size_0:
called_computation_lowered:
.L_overlay_start_0:
0x88: {  	s2 =	sld [smem:$0x3FD9]  }
0x89: {  	s3 =	sld [smem:$0x3FFE];
	_ =	sdelay $0x1  }
0x8a: {  	s1 =	srdreg.scid  }
0x8b: {  	s0 =	sand.u32 $0x1, s1  }
0x8c: {  	s18 =	sshll.u32 s0, $0xA;
	s2 =	sadd.s32 s3, s2  }
0x8d: {  	s2 =	sadd.s32 s2, s18  }
0x8e: {  	[smem:$0x3FC6] =	sst s2  }
0x8f: {  	_ = 	snop  }
0x90: {  	s2 =	sld [smem:$0x3FC9]  }
0x91: {  	s19 =	sld [smem:$0x3FC8]  }
0x92: {  	s4 =	sld [smem:$0x3FD0];
	(tm) =	ssettm $0x1  }
0x93: {  	s5 =	sld [smem:$0x3FFB];
	_ =	sdelay $0x3  }
0x94: {  	_ =	strace s5  }
0x95: {  	s5 =	sld [smem:$0x3FFC];
	_ =	sdelay $0x3  }
0x96: {  	_ =	strace s5  }
0x97: {  	s5 =	sld [smem:$0x3FFD];
	_ =	sdelay $0x3  }
0x98: {  	_ =	strace s5  }
0x99: {  	_ =	strace $0x8FFFFFFF  }
0x9a: {  	s20 =	sld [smem:$0x3FDB];
	_ =	sdelay $0x1  }
0x9b: {  	s6 =	simm.s32 $_scs_section_size  }
0x9c: {  	s7 =	simm.s32 $_size__tile_overlayer_lowered;
	s8 =	simm.s32 $_tile_overlayer_lowered  }
0x9d: {  	s23 =	simm.s32 $0x1BFF;
	s22 =	sshll.u32 s8, $0x1;
	s5 =	sadd.s32 s6, s20  }
0x9e: {  	s9 =	simm.s32 $0x0;
	s21 =	sshll.u32 s7, $0x1;
	s7 =	sadd.s32 s22, s5  }
0x9f: {  	[timem:s9], [sflag:s23] =	dma.local [hbm:s7], s21  }
0xa0: {  	_ =	swait.ge [sflag:s23], s21  }
0xa1: {  	s6 =	ssub.s32 $0x0, s21;
	[sflag:s23] =	ssyncset.done $0x0  }
0xa2: {  	[sflag:s23] =	ssyncadd.s32 s6;
	_ =	sdelay $0x1  }
0xa3: {  	s24 =	simm.s32 $0x1B8B  }
0xa4: {  	_ =	swait.ge [sflag:s24], $0x1  }
0xa5: {  	[sflag:s24] =	ssyncset.done $0x0  }
0xa6: {  	s25 =	simm.s32 $0x1B8E;
	[sflag:s24] =	ssyncadd.s32 $0xFFFFFFFF  }
0xa7: {  	s26 =	simm.s32 $execute0_lowered;
	[smem:$0x3FD2] =	sst s25  }
0xa8: {  	s6 =	sshll.u32 s26, $0x1;
	_ =	strace $0x80000046;
	[dreg:$0x1] =	wrdreg $0xFFFFFFFF  }
0xa9: {  	s28 =	simm.s32 $_size_execute0_lowered;
	s5 =	sadd.s32 s5, s6;
	[dreg:$0x0] =	wrdreg $0x0  }
0xaa: {  	s6 =	sshll.u32 s28, $0x1;
	[dreg:$0x2] =	wrdreg s5  }
0xab: {  	[dreg:$0x3] =	wrdreg s6  }
0xac: {  	[dreg:$0x4] =	wrdreg $0xC0  }
0xad: {  	_ =	task [dreg:s9], $0x5FFFF  }
0xae: {  	[dreg:$0x1] =	wrdreg $0xFFFFFFFF  }
0xaf: {  	[dreg:$0x0] =	wrdreg $0x60  }
0xb0: {  	[dreg:$0x2] =	wrdreg s2  }
0xb1: {  	[dreg:$0x3] =	wrdreg s19  }
0xb2: {  	[dreg:$0x4] =	wrdreg s4  }
0xb3: {  	[dreg:$0x5] =	wrdreg $0x9  }
0xb4: {  	_ =	task.clear_ibuf [dreg:s9], $0x6FFFF;
	_ =	strace $0x90000046  }
0xb5: {  	s29 =	simm.s32 $0x9;
	_ =	strace $0x80000048  }
0xb6: {  	_ =	swait.ge [sflag:s29], $0x1  }
0xb7: {  	[sflag:s29] =	ssyncadd.s32 $0xFFFFFFFF  }
0xb8: {  	_ =	strace $0x90000048  }
0xb9: {  	_ =	sfence  }
0xba: {  	s30 =	sld [smem:$0x0];
	_ =	sdelay $0x2  }
0xbb: {  	s31 =	sshll.u32 s1, $0xD;
	s1 =	sshrl.u32 s1, $0x2  }
0xbc: {  	s3 =	sand.u32 $0x4000, s31;
	s1 =	sadd.s32 s1, s30  }
0xbd: {  	s0 =	sor.u32 s3, s0;
	s1 =	sshll.u32 s1, $0x11  }
0xbe: {  	s0 =	sor.u32 s1, s0  }
0xbf: {  	s0 =	sadd.s32 $0x8F2B, s0  }
0xc0: {  	[sflag:s0] =	ssyncadd.remote.s32 $0x1  }
0xc1: {  	_ =	sfence.sel $0xFFFF  }
0xc2: {  	[dreg:$0x0] =	wrdreg $0xFFFFFFFF;
	(pc) =	sbr.abs _section_cstart, $3  }
0xc3: {  	[dreg:$0x1] =	wrdreg $0xFFFFFFFF  }
0xc4: {  	_ =	task.clear_ibuf [dreg:s9], $0x2FFFF;
	_ =	strace $0x9FFFFFFF  }
0xc5: {  	(tm) =	ssettm $0x7FFFFFFF  }
tec
execute0_lowered:
.L_overlay_start_1:
0x0: {  	(tag) =	ssettag $0x1  }
0x1: {  	s1 =	rddreg [dreg:$0x0]  }
0x2: {  	s2 =	rddreg [dreg:$0x1]  }
0x3: {  	s0 =	rddreg [dreg:$0x2];
	s3 =	srdreg.scid  }
0x4: {  	s6 =	simm.s32 $0x0;
	s5 =	stileid.u32;
	s3 =	sand.u32 $0x1, s3  }
0x5: {  	s5 =	sshll.u32 s5, $0x10;
	s4 =	ssub.s32 $0x2, s3;
	s3 =	sshll.u32 s3, $0xF  }
0x6: {  	[smem:$0x7FF] =	sst s6;
	s5 =	sor.u32 s3, s5  }
0x7: {  	_ =	strace $0x80000047;
	s24 =	sshrl.u32 s4, $0x1;
	s26 =	sadd.s32 s2, s5  }
0x8: {  	s7 =	sadd.s32 s1, s5;
	s28 =	sor.u32 $0x40, s5;
	[dreg:$0x4] =	wrdreg s26  }
0x9: {  	s29 =	sor.u32 $0x400, s5;
	s8 =	sadd.s32 s2, s28;
	[dreg:$0x5] =	wrdreg s7  }
0xa: {  	s6 =	sor.u32 $0x440, s5;
	s31 =	sadd.s32 s2, s29;
	[dreg:$0x6] =	wrdreg s8  }
0xb: {  	s11 =	sor.u32 $0x800, s5;
	s10 =	sadd.s32 s2, s6;
	[dreg:$0x8] =	wrdreg s31  }
0xc: {  	s25 =	ssub.s32 s4, s24;
	s12 =	sadd.s32 s2, s11;
	[dreg:$0xa] =	wrdreg s10  }
0xd: {  	s13 =	smax.u32 s25, $0x1;
	[dreg:$0xc] =	wrdreg s12  }
0xe: {  	s14 =	sadd.s32 $0x100000, s7;
	[dreg:$0xd] =	wrdreg s13  }
0xf: {  	s17 =	sadd.s32 $0x200000, s7;
	[dreg:$0xe] =	wrdreg s14  }
0x10: {  	s18 =	sadd.s32 $0x300000, s7;
	[dreg:$0xf] =	wrdreg s17  }
0x11: {  	s30 =	sadd.s32 s1, s28;
	[dreg:$0x10] =	wrdreg s18  }
0x12: {  	s9 =	sadd.s32 s1, s29;
	[dreg:$0x7] =	wrdreg s30  }
0x13: {  	s4 =	sadd.s32 s1, s6;
	[dreg:$0x9] =	wrdreg s9  }
0x14: {  	s19 =	sadd.s32 $0x100000, s30;
	[dreg:$0xb] =	wrdreg s4  }
0x15: {  	s20 =	sadd.s32 $0x200000, s30;
	[dreg:$0x11] =	wrdreg s19  }
0x16: {  	s21 =	sadd.s32 $0x300000, s30;
	[dreg:$0x12] =	wrdreg s20  }
0x17: {  	s16 =	sadd.s32 s0, s5;
	s22 =	sadd.s32 $0x100000, s9;
	[dreg:$0x13] =	wrdreg s21  }
0x18: {  	s15 =	sadd.s32 s1, s11;
	s23 =	sadd.s32 $0x200000, s9;
	[dreg:$0x14] =	wrdreg s22  }
0x19: {  	s6 =	simm.s32 $0x400;
	s24 =	sadd.s32 $0x300000, s9;
	[dreg:$0x15] =	wrdreg s23  }
0x1a: {  	s25 =	sadd.s32 $0x100000, s4;
	s26 =	sadd.s32 $0x200000, s4;
	[dreg:$0x16] =	wrdreg s24  }
0x1b: {  	s28 =	sadd.s32 $0x300000, s4;
	s29 =	sadd.s32 $0x100000, s15;
	[dreg:$0x17] =	wrdreg s25  }
0x1c: {  	s30 =	sadd.s32 $0x200000, s15;
	s31 =	sadd.s32 $0x300000, s15;
	[dreg:$0x18] =	wrdreg s26  }
0x1d: {  	s4 =	simm.s32 $0x200;
	s8 =	simm.s32 $0xB;
	[dreg:$0x19] =	wrdreg s28  }
0x1e: {  	s10 =	simm.s32 $0xC;
	s12 =	simm.s32 $0x7;
	[dreg:$0x1a] =	wrdreg s29  }
0x1f: {  	s14 =	simm.s32 $0x8;
	s17 =	simm.s32 $0x9;
	[dreg:$0x1b] =	wrdreg s30  }
0x20: {  	s18 =	simm.s32 $0xA;
	[dreg:$0x1c] =	wrdreg s31;
	s19 =	simm.s32 $0x0  }
.LBB2_1:
0x21: {  	s0 =	simm.s32 $0x0;
	s3 =	rddreg [dreg:$0x4]  }
0x22: {  	[tilespmem:s0], [sflag:$0x1] =	stream.strided.gather [hbm4b:s3+s4], $0x1000, s6, s4, $0x38;
	[tilespmem:$0x1E000] =	vst v63  }
0x23: {  	s7 =	simm.s32 $0x6000;
	s3 =	rddreg [dreg:$0x5]  }
0x24: {  	[tilespmem:s7], [sflag:$0x1] =	stream.strided.gather [hbm4b:s3+s4], $0x1000, s6, s4, $0x38;
	[tilespmem:$0x1E000] =	vst v63  }
0x25: {  	s9 =	rddreg [dreg:$0xe];
	s11 =	simm.s32 $0x7000  }
0x26: {  	[tilespmem:s11], [sflag:$0x1] =	stream.strided.gather [hbm4b:s9+s4], $0x1000, s6, s4, $0x38;
	[tilespmem:$0x1E000] =	vst v63  }
0x27: {  	s13 =	rddreg [dreg:$0xf];
	s20 =	simm.s32 $0x8000  }
0x28: {  	[tilespmem:s20], [sflag:$0x1] =	stream.strided.gather [hbm4b:s13+s4], $0x1000, s6, s4, $0x38;
	[tilespmem:$0x1E000] =	vst v63  }
0x29: {  	s21 =	rddreg [dreg:$0x10];
	s22 =	simm.s32 $0x9000  }
0x2a: {  	[tilespmem:s22], [sflag:$0x1] =	stream.strided.gather [hbm4b:s21+s4], $0x1000, s6, s4, $0x38;
	[tilespmem:$0x1E000] =	vst v63  }
0x2b: {  	s23 =	rddreg [dreg:$0x6];
	s24 =	simm.s32 $0x1000  }
0x2c: {  	[tilespmem:s24], [sflag:$0x2] =	stream.strided.gather [hbm4b:s23+s4], $0x1000, s6, s4, $0x38;
	[tilespmem:$0x1E000] =	vst v63  }
0x2d: {  	s25 =	rddreg [dreg:$0x7];
	s26 =	simm.s32 $0xA000  }
0x2e: {  	[tilespmem:s26], [sflag:$0x2] =	stream.strided.gather [hbm4b:s25+s4], $0x1000, s6, s4, $0x38;
	[tilespmem:$0x1E000] =	vst v63  }
0x2f: {  	s28 =	rddreg [dreg:$0x11];
	s29 =	simm.s32 $0xB000  }
0x30: {  	[tilespmem:s29], [sflag:$0x2] =	stream.strided.gather [hbm4b:s28+s4], $0x1000, s6, s4, $0x38;
	[tilespmem:$0x1E000] =	vst v63  }
0x31: {  	s30 =	rddreg [dreg:$0x12];
	s31 =	simm.s32 $0xC000  }
0x32: {  	[tilespmem:s31], [sflag:$0x2] =	stream.strided.gather [hbm4b:s30+s4], $0x1000, s6, s4, $0x38;
	[tilespmem:$0x1E000] =	vst v63  }
0x33: {  	s3 =	rddreg [dreg:$0x13];
	s7 =	simm.s32 $0xD000  }
0x34: {  	[tilespmem:s7], [sflag:$0x2] =	stream.strided.gather [hbm4b:s3+s4], $0x1000, s6, s4, $0x38;
	[tilespmem:$0x1E000] =	vst v63  }
0x35: {  	s9 =	rddreg [dreg:$0x8];
	s11 =	simm.s32 $0x2000  }
0x36: {  	[tilespmem:s11], [sflag:$0x3] =	stream.strided.gather [hbm4b:s9+s4], $0x1000, s6, s4, $0x38;
	[tilespmem:$0x1E000] =	vst v63  }
0x37: {  	s13 =	rddreg [dreg:$0x9];
	s20 =	simm.s32 $0xE000  }
0x38: {  	[tilespmem:s20], [sflag:$0x3] =	stream.strided.gather [hbm4b:s13+s4], $0x1000, s6, s4, $0x38;
	[tilespmem:$0x1E000] =	vst v63  }
0x39: {  	s21 =	rddreg [dreg:$0x14];
	s22 =	simm.s32 $0xF000  }
0x3a: {  	[tilespmem:s22], [sflag:$0x3] =	stream.strided.gather [hbm4b:s21+s4], $0x1000, s6, s4, $0x38;
	[tilespmem:$0x1E000] =	vst v63  }
0x3b: {  	s23 =	rddreg [dreg:$0x15];
	s24 =	simm.s32 $0x10000  }
0x3c: {  	[tilespmem:s24], [sflag:$0x3] =	stream.strided.gather [hbm4b:s23+s4], $0x1000, s6, s4, $0x38;
	[tilespmem:$0x1E000] =	vst v63  }
0x3d: {  	s25 =	rddreg [dreg:$0x16];
	s26 =	simm.s32 $0x11000  }
0x3e: {  	[tilespmem:s26], [sflag:$0x3] =	stream.strided.gather [hbm4b:s25+s4], $0x1000, s6, s4, $0x38;
	[tilespmem:$0x1E000] =	vst v63  }
0x3f: {  	s28 =	rddreg [dreg:$0xa];
	s29 =	simm.s32 $0x3000  }
0x40: {  	[tilespmem:s29], [sflag:$0x4] =	stream.strided.gather [hbm4b:s28+s4], $0x1000, s6, s4, $0x38;
	[tilespmem:$0x1E000] =	vst v63  }
0x41: {  	s30 =	rddreg [dreg:$0xb];
	s31 =	simm.s32 $0x12000  }
0x42: {  	[tilespmem:s31], [sflag:$0x4] =	stream.strided.gather [hbm4b:s30+s4], $0x1000, s6, s4, $0x38;
	[tilespmem:$0x1E000] =	vst v63  }
0x43: {  	s7 =	rddreg [dreg:$0x17];
	s9 =	simm.s32 $0x13000  }
0x44: {  	[tilespmem:s9], [sflag:$0x4] =	stream.strided.gather [hbm4b:s7+s4], $0x1000, s6, s4, $0x38;
	[tilespmem:$0x1E000] =	vst v63  }
0x45: {  	s11 =	rddreg [dreg:$0x18];
	s13 =	simm.s32 $0x14000  }
0x46: {  	[tilespmem:s13], [sflag:$0x4] =	stream.strided.gather [hbm4b:s11+s4], $0x1000, s6, s4, $0x38;
	[tilespmem:$0x1E000] =	vst v63  }
0x47: {  	s20 =	rddreg [dreg:$0x19];
	s21 =	simm.s32 $0x15000  }
0x48: {  	[tilespmem:s21], [sflag:$0x4] =	stream.strided.gather [hbm4b:s20+s4], $0x1000, s6, s4, $0x38;
	[tilespmem:$0x1E000] =	vst v63  }
0x49: {  	s22 =	rddreg [dreg:$0xc];
	s23 =	simm.s32 $0x4000  }
0x4a: {  	[tilespmem:s23], [sflag:$0x5] =	stream.strided.gather [hbm4b:s22+s4], $0x1000, s6, s4, $0x38;
	[tilespmem:$0x1E000] =	vst v63  }
0x4b: {  	s24 =	simm.s32 $0x16000  }
0x4c: {  	[tilespmem:s24], [sflag:$0x5] =	stream.strided.gather [hbm4b:s15+s4], $0x1000, s6, s4, $0x38;
	[tilespmem:$0x1E000] =	vst v63  }
0x4d: {  	s25 =	rddreg [dreg:$0x1a];
	s26 =	simm.s32 $0x17000  }
0x4e: {  	[tilespmem:s26], [sflag:$0x5] =	stream.strided.gather [hbm4b:s25+s4], $0x1000, s6, s4, $0x38;
	[tilespmem:$0x1E000] =	vst v63  }
0x4f: {  	s28 =	rddreg [dreg:$0x1b];
	s29 =	simm.s32 $0x18000  }
0x50: {  	[tilespmem:s29], [sflag:$0x5] =	stream.strided.gather [hbm4b:s28+s4], $0x1000, s6, s4, $0x38;
	[tilespmem:$0x1E000] =	vst v63  }
0x51: {  	s30 =	rddreg [dreg:$0x1c];
	s31 =	simm.s32 $0x19000;
	s20 =	simm.s32 $0x0  }
0x52: {  	[tilespmem:s31], [sflag:$0x5] =	stream.strided.gather [hbm4b:s30+s4], $0x1000, s6, s4, $0x38;
	[tilespmem:$0x1E000] =	vst v63  }
.LBB2_2:
0x53: {  	s0 =	smul.u32 $0xAB, s20;
	_ =	sdelay $0x1  }
0x54: {  	s3 =	sadd.s32 $0x357, s0  }
0x55: {  	s3 =	sshrl.u32 s3, $0xA  }
0x56: {  	s3 =	sand.u32 $0x3F, s3  }
0x57: {  	s3 =	smul.u32 $0x6, s3  }
0x58: {  	s7 =	sadd.s32 $0x5, s20;
	p0 =	sgt.u32 s20, $0x3A  }
0x59: {  	p1 =	seq.s32 @!p0 s20, $0x0;
	s3 =	ssub.s32 s7, s3  }
0x5a: {  	p1 =	por p1, p0;
	s3 =	sand.u32 $0xFF, s3  }
0x5b: {  	s21 =	sadd.s32 @!p1 $0x7, s3  }
0x5c: {  	_ =	swait.ge @!p1 [sflag:s21], $0x4000  }
0x5d: {  	s22 =	sshll.u32 @!p0 s7, $0x9;
	s24 =	simm.s32 @!p0 $0x200;
	[sflag:s21] =	ssyncset.done @!p1 $0x0  }
0x5e: {  	s7 =	sshll.u32 @!p0 s7, $0x6;
	[sflag:s21] =	ssyncadd.s32 @!p1 $0xFFFFC000;
	s21 =	sadd.s32 @!p0 s5, s22  }
0x5f: {  	s25 =	simm.s32 @!p0 $0x400;
	s7 =	sand.u32 @!p0 $0x40, s7;
	s21 =	sand.u32 @!p0 $0x1FFC00, s21  }
0x60: {  	s0 =	sshrl.u32 s0, $0xA;
	s22 =	sshll.u32 @!p0 s3, $0xE;
	s7 =	sor.u32 @!p0 s7, s21  }
0x61: {  	s3 =	sadd.s32 @!p0 $0x1, s3;
	s21 =	sshrl.u32 @!p0 s22, $0x2;
	s23 =	sadd.s32 @!p0 s2, s7  }
0x62: {  	[tilespmem:s21], [sflag:s3] =	stream.strided.gather @!p0 [hbm4b:s23+s24], $0x1000, s25, s24, $0x38;
	[tilespmem:$0x1E000] =	vst v63  }
0x63: {  	s0 =	sand.u32 $0x3F, s0;
	s7 =	sadd.s32 @!p0 s1, s7;
	s21 =	sadd.s32 @!p0 $0x6000, s22  }
0x64: {  	[tilespmem:s21], [sflag:s3] =	stream.strided.gather @!p0 [hbm4b:s7+s24], $0x1000, s25, s24, $0x38;
	[tilespmem:$0x1E000] =	vst v63  }
0x65: {  	s0 =	smul.u32 $0x6, s0;
	s23 =	sadd.s32 @!p0 $0x7000, s22;
	s21 =	sadd.s32 @!p0 $0x100000, s7  }
0x66: {  	[tilespmem:s23], [sflag:s3] =	stream.strided.gather @!p0 [hbm4b:s21+s24], $0x1000, s25, s24, $0x38;
	[tilespmem:$0x1E000] =	vst v63  }
0x67: {  	s0 =	ssub.s32 s20, s0;
	s21 =	sadd.s32 @!p0 $0x200000, s7;
	s23 =	sadd.s32 @!p0 $0x8000, s22  }
0x68: {  	[tilespmem:s23], [sflag:s3] =	stream.strided.gather @!p0 [hbm4b:s21+s24], $0x1000, s25, s24, $0x38;
	[tilespmem:$0x1E000] =	vst v63  }
0x69: {  	s21 =	sand.u32 $0xFF, s0;
	s0 =	sadd.s32 @!p0 $0x300000, s7;
	s7 =	sadd.s32 @!p0 $0x9000, s22  }
0x6a: {  	[tilespmem:s7], [sflag:s3] =	stream.strided.gather @!p0 [hbm4b:s0+s24], $0x1000, s25, s24, $0x38;
	[tilespmem:$0x1E000] =	vst v63  }
0x6b: {  	s7 =	sadd.s32 $0x1, s21  }
0x6c: {  	_ =	swait.ge [sflag:s7], $0x1000  }
0x6d: {  	[sflag:s7] =	ssyncset.done $0x0  }
0x6e: {  	s11 =	sshll.u32 s21, $0xE;
	s24 =	simm.s32 $0x0;
	[sflag:s7] =	ssyncadd.s32 $0xFFFFF000  }
0x6f: {  	s26 =	sshrl.u32 s11, $0x2;
	s13 =	sand.u32 $0xE00, s24;
	_ =	swait.ge [sflag:s7], $0x4000  }
0x70: {  	s31 =	sand.u32 $0x180, s24;
	s9 =	sadd.s32 s13, s26;
	[sflag:s7] =	ssyncset.done $0x0  }
0x71: {  	s0 =	sadd.s32 s31, s9;
	[sflag:s7] =	ssyncadd.s32 $0xFFFFC000  }
0x72: {  	v0 =	vld [tilespmem:s0+$0x70]  }
0x73: {  	v1 =	vld [tilespmem:s0+$0x0]  }
0x74: {  	v2 =	vld [tilespmem:s0+$0x10]  }
0x75: {  	v3 =	vld [tilespmem:s0+$0x20]  }
0x76: {  	s22 =	sadd.s32 $0x6000, s11;
	v4 =	vld [tilespmem:s0+$0x30]  }
0x77: {  	s28 =	sadd.s32 s13, s22;
	v5 =	vld [tilespmem:s0+$0x40]  }
0x78: {  	s9 =	sadd.s32 s31, s28;
	v6 =	vld [tilespmem:s0+$0x50]  }
0x79: {  	[tilespmem:s9+$0x70] =	vst.add.f32.msk $0xffff, v0  }
0x7a: {  	[tilespmem:s9+$0x0] =	vst.add.f32.msk $0xffff, v1  }
0x7b: {  	[tilespmem:s9+$0x10] =	vst.add.f32.msk $0xffff, v2  }
0x7c: {  	[tilespmem:s9+$0x20] =	vst.add.f32.msk $0xffff, v3  }
0x7d: {  	s23 =	sadd.s32 $0x7000, s11;
	[tilespmem:s9+$0x30] =	vst.add.f32.msk $0xffff, v4  }
0x7e: {  	s29 =	sadd.s32 s13, s23;
	[tilespmem:s9+$0x40] =	vst.add.f32.msk $0xffff, v5  }
0x7f: {  	s30 =	sadd.s32 s31, s29;
	[tilespmem:s9+$0x50] =	vst.add.f32.msk $0xffff, v6  }
0x80: {  	[tilespmem:s30+$0x70] =	vst.add.f32.msk $0xffff, v0  }
0x81: {  	[tilespmem:s30+$0x0] =	vst.add.f32.msk $0xffff, v1  }
0x82: {  	[tilespmem:s30+$0x10] =	vst.add.f32.msk $0xffff, v2  }
0x83: {  	[tilespmem:s30+$0x20] =	vst.add.f32.msk $0xffff, v3  }
0x84: {  	s25 =	sadd.s32 $0x8000, s11;
	[tilespmem:s30+$0x30] =	vst.add.f32.msk $0xffff, v4  }
0x85: {  	s28 =	sadd.s32 $0x9000, s11;
	s11 =	sadd.s32 s13, s25;
	[tilespmem:s30+$0x40] =	vst.add.f32.msk $0xffff, v5  }
0x86: {  	s29 =	sadd.s32 s31, s11;
	[tilespmem:s30+$0x50] =	vst.add.f32.msk $0xffff, v6  }
0x87: {  	[tilespmem:s29+$0x70] =	vst.add.f32.msk $0xffff, v0  }
0x88: {  	[tilespmem:s29+$0x0] =	vst.add.f32.msk $0xffff, v1  }
0x89: {  	[tilespmem:s29+$0x10] =	vst.add.f32.msk $0xffff, v2  }
0x8a: {  	[tilespmem:s29+$0x20] =	vst.add.f32.msk $0xffff, v3  }
0x8b: {  	[tilespmem:s29+$0x30] =	vst.add.f32.msk $0xffff, v4  }
0x8c: {  	s13 =	sadd.s32 s13, s28;
	[tilespmem:s29+$0x40] =	vst.add.f32.msk $0xffff, v5  }
0x8d: {  	s31 =	sadd.s32 s31, s13;
	[tilespmem:s29+$0x50] =	vst.add.f32.msk $0xffff, v6  }
0x8e: {  	[tilespmem:s31+$0x70] =	vst.add.f32.msk $0xffff, v0  }
0x8f: {  	v0 =	vld [tilespmem:s0+$0x60]  }
0x90: {  	[tilespmem:s31+$0x0] =	vst.add.f32.msk $0xffff, v1  }
0x91: {  	[tilespmem:s31+$0x10] =	vst.add.f32.msk $0xffff, v2  }
0x92: {  	[tilespmem:s31+$0x20] =	vst.add.f32.msk $0xffff, v3  }
0x93: {  	[tilespmem:s31+$0x30] =	vst.add.f32.msk $0xffff, v4  }
0x94: {  	[tilespmem:s31+$0x40] =	vst.add.f32.msk $0xffff, v5  }
0x95: {  	[tilespmem:s31+$0x50] =	vst.add.f32.msk $0xffff, v6  }
0x96: {  	s3 =	simm.s32 $0x200;
	s0 =	simm.s32 $0x0;
	[tilespmem:s9+$0x60] =	vst.add.f32.msk $0xffff, v0  }
.LBB2_3:
0x97: {  	s9 =	sand.u32 $0xE00, s3;
	[tilespmem:s30+$0x60] =	vst.add.f32.msk $0xffff, v0;
	s24 =	sadd.s32 $0x10, s24  }
0x98: {  	s11 =	sand.u32 $0x180, s24;
	s7 =	sadd.s32 s9, s26;
	[tilespmem:s29+$0x60] =	vst.add.f32.msk $0xffff, v0  }
0x99: {  	s13 =	sadd.s32 s11, s7;
	[tilespmem:s31+$0x60] =	vst.add.f32.msk $0xffff, v0  }
0x9a: {  	s0 =	sadd.s32 $0x8, s0;
	v0 =	vld [tilespmem:s13+$0x70]  }
0x9b: {  	p0 =	slt.u32 s0, $0xF8;
	v1 =	vld [tilespmem:s13+$0x0]  }
0x9c: {  	v2 =	vld [tilespmem:s13+$0x10]  }
0x9d: {  	s7 =	sadd.s32 s9, s22;
	v3 =	vld [tilespmem:s13+$0x20]  }
0x9e: {  	s29 =	sadd.s32 s9, s23;
	s7 =	sadd.s32 s11, s7;
	v4 =	vld [tilespmem:s13+$0x30]  }
0x9f: {  	s30 =	sadd.s32 s11, s29;
	s29 =	sadd.s32 s9, s25;
	[tilespmem:s7+$0x70] =	vst.add.f32.msk $0xffff, v0  }
0xa0: {  	s9 =	sadd.s32 s9, s28;
	s29 =	sadd.s32 s11, s29;
	[tilespmem:s30+$0x70] =	vst.add.f32.msk $0xffff, v0  }
0xa1: {  	s31 =	sadd.s32 s11, s9;
	[tilespmem:s29+$0x70] =	vst.add.f32.msk $0xffff, v0  }
0xa2: {  	[tilespmem:s31+$0x70] =	vst.add.f32.msk $0xffff, v0  }
0xa3: {  	v5 =	vld [tilespmem:s13+$0x40]  }
0xa4: {  	v6 =	vld [tilespmem:s13+$0x50]  }
0xa5: {  	v0 =	vld [tilespmem:s13+$0x60]  }
0xa6: {  	[tilespmem:s7+$0x0] =	vst.add.f32.msk $0xffff, v1  }
0xa7: {  	[tilespmem:s30+$0x0] =	vst.add.f32.msk $0xffff, v1  }
0xa8: {  	[tilespmem:s29+$0x0] =	vst.add.f32.msk $0xffff, v1  }
0xa9: {  	[tilespmem:s31+$0x0] =	vst.add.f32.msk $0xffff, v1  }
0xaa: {  	[tilespmem:s7+$0x10] =	vst.add.f32.msk $0xffff, v2  }
0xab: {  	[tilespmem:s30+$0x10] =	vst.add.f32.msk $0xffff, v2  }
0xac: {  	[tilespmem:s29+$0x10] =	vst.add.f32.msk $0xffff, v2  }
0xad: {  	[tilespmem:s31+$0x10] =	vst.add.f32.msk $0xffff, v2  }
0xae: {  	[tilespmem:s7+$0x20] =	vst.add.f32.msk $0xffff, v3  }
0xaf: {  	[tilespmem:s30+$0x20] =	vst.add.f32.msk $0xffff, v3  }
0xb0: {  	[tilespmem:s29+$0x20] =	vst.add.f32.msk $0xffff, v3  }
0xb1: {  	[tilespmem:s31+$0x20] =	vst.add.f32.msk $0xffff, v3  }
0xb2: {  	[tilespmem:s7+$0x30] =	vst.add.f32.msk $0xffff, v4  }
0xb3: {  	[tilespmem:s30+$0x30] =	vst.add.f32.msk $0xffff, v4  }
0xb4: {  	[tilespmem:s29+$0x30] =	vst.add.f32.msk $0xffff, v4  }
0xb5: {  	[tilespmem:s31+$0x30] =	vst.add.f32.msk $0xffff, v4  }
0xb6: {  	[tilespmem:s7+$0x40] =	vst.add.f32.msk $0xffff, v5  }
0xb7: {  	[tilespmem:s30+$0x40] =	vst.add.f32.msk $0xffff, v5  }
0xb8: {  	[tilespmem:s29+$0x40] =	vst.add.f32.msk $0xffff, v5  }
0xb9: {  	[tilespmem:s31+$0x40] =	vst.add.f32.msk $0xffff, v5  }
.Ltmp0:
0xba: {  	[tilespmem:s7+$0x50] =	vst.add.f32.msk $0xffff, v6;
	(pc) =	sbr.rel @p0 .LBB2_3-.Ltmp0, $4  }
0xbb: {  	[tilespmem:s30+$0x50] =	vst.add.f32.msk $0xffff, v6  }
0xbc: {  	[tilespmem:s29+$0x50] =	vst.add.f32.msk $0xffff, v6  }
0xbd: {  	[tilespmem:s31+$0x50] =	vst.add.f32.msk $0xffff, v6  }
0xbe: {  	s3 =	sadd.s32 $0x200, s3;
	[tilespmem:s7+$0x60] =	vst.add.f32.msk $0xffff, v0  }
0xbf: {  	s0 =	sshll.u32 s20, $0x9;
	s3 =	sshll.u32 s20, $0x6  }
0xc0: {  	[tilespmem:s30+$0x60] =	vst.add.f32.msk $0xffff, v0;
	s0 =	sand.u32 $0x7C00, s0;
	s3 =	sand.u32 $0x40, s3  }
0xc1: {  	[tilespmem:s29+$0x60] =	vst.add.f32.msk $0xffff, v0;
	s0 =	sor.u32 s3, s0  }
0xc2: {  	s30 =	sadd.s32 $0x7, s21;
	s20 =	sadd.s32 $0x1, s20;
	[tilespmem:s31+$0x60] =	vst.add.f32.msk $0xffff, v0;
	s0 =	sadd.s32 s0, s16  }
0xc3: {  	[hbm4b:s0+s4] =	stream.strided.scatter [tilespmem:s22], [sflag:s30], $0x1000, s6, s4, $0x38;
	[tilespmem:$0x1E000] =	vst v63  }
0xc4: {  	p0 =	sne.s32 s20, $0x40;
	s7 =	sadd.s32 $0x100000, s0  }
0xc5: {  	[hbm4b:s7+s4] =	stream.strided.scatter [tilespmem:s23], [sflag:s30], $0x1000, s6, s4, $0x38;
	[tilespmem:$0x1E000] =	vst v63  }
.Ltmp1:
0xc6: {  	_ = 	snop;
	(pc) =	sbr.rel @p0 .LBB2_2-.Ltmp1, $4  }
0xc7: {  	s31 =	sadd.s32 $0x200000, s0  }
0xc8: {  	[hbm4b:s31+s4] =	stream.strided.scatter [tilespmem:s25], [sflag:s30], $0x1000, s6, s4, $0x38;
	[tilespmem:$0x1E000] =	vst v63  }
0xc9: {  	s0 =	sadd.s32 $0x300000, s0  }
0xca: {  	[hbm4b:s0+s4] =	stream.strided.scatter [tilespmem:s28], [sflag:s30], $0x1000, s6, s4, $0x38;
	[tilespmem:$0x1E000] =	vst v63  }
0xcb: {  	_ =	swait.ge [sflag:s8], $0x4000  }
0xcc: {  	[sflag:s8] =	ssyncset.done $0x0  }
0xcd: {  	[sflag:s8] =	ssyncadd.s32 $0xFFFFC000  }
0xce: {  	_ =	swait.ge [sflag:s10], $0x4000  }
0xcf: {  	[sflag:s10] =	ssyncset.done $0x0  }
0xd0: {  	[sflag:s10] =	ssyncadd.s32 $0xFFFFC000  }
0xd1: {  	_ =	swait.ge [sflag:s12], $0x4000  }
0xd2: {  	[sflag:s12] =	ssyncset.done $0x0  }
0xd3: {  	[sflag:s12] =	ssyncadd.s32 $0xFFFFC000  }
0xd4: {  	_ =	swait.ge [sflag:s14], $0x4000  }
0xd5: {  	[sflag:s14] =	ssyncset.done $0x0  }
0xd6: {  	[sflag:s14] =	ssyncadd.s32 $0xFFFFC000  }
0xd7: {  	_ =	swait.ge [sflag:s17], $0x4000  }
0xd8: {  	[sflag:s17] =	ssyncset.done $0x0  }
0xd9: {  	[sflag:s17] =	ssyncadd.s32 $0xFFFFC000  }
0xda: {  	_ =	swait.ge [sflag:s18], $0x4000  }
0xdb: {  	s19 =	sadd.s32 $0x1, s19;
	s0 =	rddreg [dreg:$0xd]  }
0xdc: {  	p0 =	sne.s32 s19, s0  }
.Ltmp2:
0xdd: {  	_ = 	snop;
	(pc) =	sbr.rel @p0 .LBB2_1-.Ltmp2, $3  }
0xde: {  	_ =	sdelay $0x1  }
0xdf: {  	[sflag:s18] =	ssyncset.done $0x0  }
0xe0: {  	[sflag:s18] =	ssyncadd.s32 $0xFFFFC000  }
0xe1: {  	_ =	sfence.sel $0x180000  }
0xe2: {  	[bflag:$0x0] =	sbarrier.arrive $0xFFFF  }
0xe3: {  	_ =	strace $0x90000047  }
0xe4: {  	s0 =	stileid.u32;
	[bflag:$0x2] =	sbarrier.arrive $0xFFFF  }
0xe5: {  	p0 =	sne.s32 s0, $0x0;
	s0 =	rddreg [dreg:$0x3]  }
0xe6: {  	s0 =	sadd.s32 @!p0 $0x100000, s0  }
0xe7: {  	[sflag:s0] =	ssyncadd.tile.s32 @!p0 $0x1;
	_ =	shalt  }
.Lfunc_end2:
_tile_overlayer_lowered:
.L_overlay_start_2:
0xe8: {  	(tag) =	ssettag $0x2  }
0xe9: {  	s0 =	rddreg [dreg:$0x0];
	s2 =	stileid.u32  }
0xea: {  	s1 =	rddreg [dreg:$0x1];
	p0 =	sne.s32 s2, $0x0  }
0xeb: {  	s3 =	rddreg [dreg:$0x2];
	[bflag:$0x3] =	sbarrier.arrive $0xFFFF;
	s2 =	simm.s32 @!p0 $0x1C0D  }
0xec: {  	[timem:s3], [sflag:s2] =	dma.local @!p0 [hbm:s0], s1  }
0xed: {  	s0 =	simm.s32 @!p0 $0xD  }
0xee: {  	_ =	swait.ge @!p0 [sflag:s0], s1  }
0xef: {  	s1 =	ssub.s32 @!p0 $0x0, s1;
	[sflag:s0] =	ssyncset.done @!p0 $0x0  }
0xf0: {  	[sflag:s0] =	ssyncadd.s32 @!p0 s1  }
0xf1: {  	[bflag:$0x3] =	sbarrier.arrive $0xFFFF  }
0xf2: {  	_ =	shalt  }

</sc_bundles>
